<compile_context>
chip_gen: v7x
topology: tpu7x:2x2x1
jax: 0.10.2.dev20260603
libtpu: 0.0.44.dev20260713+nightly
codegen_flags: <defaults>
</compile_context>

<pallas_src>
import functools

import jax
import jax.numpy as jnp
from jax import lax
from jax.experimental import pallas as pl
from jax.experimental.pallas import tpu as pltpu
from jax.experimental.pallas import tpu_sc as plsc

EMB_DIM = 64
BATCH = 16384
NUM_WORKERS = 32
ROWS_PER_WORKER = BATCH // NUM_WORKERS
GATHER_CHUNK = 256
MLP_BLOCK = 2048
TR_BLOCK = 8192
WORDS = EMB_DIM // 2


def _round_bf16_bits(x):
    u = lax.bitcast_convert_type(x, jnp.uint32)
    return (u + 0x7FFF + ((u >> 16) & 1)) >> 16


def _transpose_body(in_ref, out_ref):
    x = in_ref[...]
    lo = _round_bf16_bits(x[:WORDS, :])
    hi = _round_bf16_bits(x[WORDS:, :])
    packed = lax.bitcast_convert_type(
        lo | (hi << 16), jnp.int32)
    q = TR_BLOCK // 4
    parts = [packed[:, i * q:(i + 1) * q].T for i in range(4)]
    out_ref[...] = jnp.concatenate(parts, axis=1)


def _transpose(table_t):
    v = table_t.shape[1]
    grid = (v + TR_BLOCK - 1) // TR_BLOCK
    return pl.pallas_call(
        _transpose_body,
        grid=(grid,),
        in_specs=[pl.BlockSpec((EMB_DIM, TR_BLOCK), lambda i: (0, i))],
        out_specs=pl.BlockSpec((TR_BLOCK // 4, 2 * EMB_DIM), lambda i: (i, 0)),
        out_shape=jax.ShapeDtypeStruct(
            (grid * (TR_BLOCK // 4), 2 * EMB_DIM), jnp.int32),
    )(table_t)


def _sc_gather_body(user_table, user_id, book_table, book_id,
                    ue_out, be_out,
                    uidx_v, urows_v, bidx_v, brows_v, usem, bsem):
    wid = lax.axis_index("s") * 2 + lax.axis_index("c")
    base = wid * ROWS_PER_WORKER
    pltpu.sync_copy(user_id.at[pl.ds(base, ROWS_PER_WORKER)], uidx_v)
    pltpu.sync_copy(book_id.at[pl.ds(base, ROWS_PER_WORKER)], bidx_v)

    for c in range(ROWS_PER_WORKER // GATHER_CHUNK):
        off = c * GATHER_CHUNK

        def step(j, carry):
            uvec = uidx_v[pl.ds(off + j * 16, 16)]
            bvec = bidx_v[pl.ds(off + j * 16, 16)]
            uo = ((uvec >> 13) << 18) + ((uvec & 2047) << 7) + \
                (((uvec >> 11) & 3) << 5)
            bo = ((bvec >> 13) << 18) + ((bvec & 2047) << 7) + \
                (((bvec >> 11) & 3) << 5)
            for k in range(16):
                s = (j * 16 + k) * WORDS
                uok = pl.multiple_of(uo[k], WORDS)
                bok = pl.multiple_of(bo[k], WORDS)
                pltpu.async_copy(user_table.at[pl.ds(uok, WORDS)],
                                 urows_v.at[pl.ds(s, WORDS)], usem)
                pltpu.async_copy(book_table.at[pl.ds(bok, WORDS)],
                                 brows_v.at[pl.ds(s, WORDS)], bsem)
            return carry

        lax.fori_loop(0, GATHER_CHUNK // 16, step, 0)
        pltpu.make_async_copy(
            user_table.at[pl.ds(0, GATHER_CHUNK * WORDS)],
            urows_v, usem).wait()
        pltpu.make_async_copy(
            book_table.at[pl.ds(0, GATHER_CHUNK * WORDS)],
            brows_v, bsem).wait()
        pltpu.sync_copy(
            urows_v,
            ue_out.at[pl.ds((base + off) * WORDS, GATHER_CHUNK * WORDS)])
        pltpu.sync_copy(
            brows_v,
            be_out.at[pl.ds((base + off) * WORDS, GATHER_CHUNK * WORDS)])


@functools.lru_cache(maxsize=1)
def _sc_gather():
    return pl.kernel(
        _sc_gather_body,
        out_type=[
            jax.ShapeDtypeStruct((BATCH * WORDS,), jnp.int32),
            jax.ShapeDtypeStruct((BATCH * WORDS,), jnp.int32),
        ],
        mesh=plsc.VectorSubcoreMesh(core_axis_name="c", subcore_axis_name="s"),
        scratch_types=[
            pltpu.VMEM((ROWS_PER_WORKER,), jnp.int32),
            pltpu.VMEM((GATHER_CHUNK * WORDS,), jnp.int32),
            pltpu.VMEM((ROWS_PER_WORKER,), jnp.int32),
            pltpu.VMEM((GATHER_CHUNK * WORDS,), jnp.int32),
            pltpu.SemaphoreType.DMA,
            pltpu.SemaphoreType.DMA,
        ],
    )


def _unpack_bf16_pair(words):
    lo = lax.bitcast_convert_type(words << 16, jnp.float32)
    hi = lax.bitcast_convert_type(words & jnp.int32(-65536), jnp.float32)
    return lo, hi


def _mlp_body(ue_ref, be_ref, w1ul_ref, w1uh_ref, w1bl_ref, w1bh_ref,
              b1_ref, w2_ref, b2_ref, w3_ref, b3_ref, out_ref):
    ue_lo, ue_hi = _unpack_bf16_pair(ue_ref[...])
    be_lo, be_hi = _unpack_bf16_pair(be_ref[...])
    h = jnp.dot(ue_lo, w1ul_ref[...], preferred_element_type=jnp.float32)
    h += jnp.dot(ue_hi, w1uh_ref[...], preferred_element_type=jnp.float32)
    h += jnp.dot(be_lo, w1bl_ref[...], preferred_element_type=jnp.float32)
    h += jnp.dot(be_hi, w1bh_ref[...], preferred_element_type=jnp.float32)
    h = jnp.maximum(h + b1_ref[...], 0.0)
    h = jnp.dot(h, w2_ref[...], preferred_element_type=jnp.float32)
    h = jnp.maximum(h + b2_ref[...], 0.0)
    out_ref[...] = (
        jnp.sum(h * w3_ref[...], axis=1, keepdims=True) + b3_ref[...]
    )


def kernel(user_id, book_title, user_table, book_table, W1, b1, W2, b2, W3, b3):
    ut = _transpose(user_table.T)
    bt = _transpose(book_table.T)
    ue, be = _sc_gather()(
        ut.reshape(-1),
        user_id.astype(jnp.int32),
        bt.reshape(-1),
        book_title.astype(jnp.int32),
    )
    ue = ue.reshape(BATCH, WORDS)
    be = be.reshape(BATCH, WORDS)

    w1ul = W1[:WORDS]
    w1uh = W1[WORDS:EMB_DIM]
    w1bl = W1[EMB_DIM:EMB_DIM + WORDS]
    w1bh = W1[EMB_DIM + WORDS:]
    b1r = b1.reshape(1, -1)
    b2r = b2.reshape(1, -1)
    w3r = W3.reshape(1, -1)
    b3r = b3.reshape(1, 1)

    grid = BATCH // MLP_BLOCK
    full = lambda i: (0, 0)
    out = pl.pallas_call(
        _mlp_body,
        grid=(grid,),
        in_specs=[
            pl.BlockSpec((MLP_BLOCK, WORDS), lambda i: (i, 0)),
            pl.BlockSpec((MLP_BLOCK, WORDS), lambda i: (i, 0)),
            pl.BlockSpec((WORDS, 256), full),
            pl.BlockSpec((WORDS, 256), full),
            pl.BlockSpec((WORDS, 256), full),
            pl.BlockSpec((WORDS, 256), full),
            pl.BlockSpec((1, 256), full),
            pl.BlockSpec((256, 64), full),
            pl.BlockSpec((1, 64), full),
            pl.BlockSpec((1, 64), full),
            pl.BlockSpec((1, 1), full),
        ],
        out_specs=pl.BlockSpec((MLP_BLOCK, 1), lambda i: (i, 0)),
        out_shape=jax.ShapeDtypeStruct((BATCH, 1), jnp.float32),
    )(ue, be, w1ul, w1uh, w1bl, w1bh, b1r, W2, b2r, w3r, b3r)
    return out

# --- scband reference (transcript-rebuilt; emitter-appended) ---
"""Pipeline reference for scband-ranking-model-11312943857714 (READ-ONLY COPY).

The authoritative reference and input builder live on the scoring server;
editing this copy changes nothing except your own understanding.
"""

import jax, jax.numpy as jnp
import numpy as np

USER_VOCAB = 1000000
BOOK_VOCAB = 100000
EMB_DIM = 64
BATCH = 16384


def setup_inputs(seed: int = 0) -> dict:
    key = jax.random.key(seed)
    k1, k2, k3, k4, k5, k6, k7 = jax.random.split(key, 7)
    user_id = jax.random.randint(k1, (BATCH,), 0, USER_VOCAB + 1, dtype=jnp.int64 if jax.config.jax_enable_x64 else jnp.int32)
    book_title = jax.random.randint(k2, (BATCH,), 0, BOOK_VOCAB + 1, dtype=jnp.int64 if jax.config.jax_enable_x64 else jnp.int32)
    user_table = jax.random.normal(k3, (USER_VOCAB + 1, EMB_DIM), dtype=jnp.float32) * 0.05
    book_table = jax.random.normal(k4, (BOOK_VOCAB + 1, EMB_DIM), dtype=jnp.float32) * 0.05
    W1 = jax.random.normal(k5, (2 * EMB_DIM, 256), dtype=jnp.float32) * (1.0 / np.sqrt(2 * EMB_DIM))
    b1 = jnp.zeros((256,), dtype=jnp.float32)
    W2 = jax.random.normal(k6, (256, 64), dtype=jnp.float32) * (1.0 / np.sqrt(256))
    b2 = jnp.zeros((64,), dtype=jnp.float32)
    W3 = jax.random.normal(k7, (64, 1), dtype=jnp.float32) * (1.0 / np.sqrt(64))
    b3 = jnp.zeros((1,), dtype=jnp.float32)
    return {"user_id": user_id, "book_title": book_title, "user_table": user_table, "book_table": book_table, "W1": W1, "b1": b1, "W2": W2, "b2": b2, "W3": W3, "b3": b3}


def reference(user_id, book_title, user_table, book_table, W1, b1, W2, b2, W3, b3):
    # StringLookup is modeled as pre-resolved integer ids into tables of size vocab+1
    user_embedding = jnp.take(user_table, user_id, axis=0)
    book_embedding = jnp.take(book_table, book_title, axis=0)
    x = jnp.concatenate([user_embedding, book_embedding], axis=1)
    h = jax.nn.relu(x @ W1 + b1)
    h = jax.nn.relu(h @ W2 + b2)
    out = h @ W3 + b3
    return out

if __name__ == "__main__":
    import jax
    _d = setup_inputs()
    print(jax.jit(kernel)(*tuple(_d.values())))

</pallas_src>

<mosaic_0001>
#map = affine_map<(d0, d1) -> (0)>
module attributes {stable_mosaic.version = 14 : i64} {
  func.func @_sc_gather_body(%arg0: i32, %arg1: i32, %arg2: memref<32243712xi32, #tpu.memory_space<hbm>>, %arg3: memref<16384xi32, #tpu.memory_space<hbm>>, %arg4: memref<3407872xi32, #tpu.memory_space<hbm>>, %arg5: memref<16384xi32, #tpu.memory_space<hbm>>, %arg6: memref<524288xi32, #tpu.memory_space<hbm>>, %arg7: memref<524288xi32, #tpu.memory_space<hbm>>, %arg8: memref<512xi32, #tpu.memory_space<vmem>>, %arg9: memref<8192xi32, #tpu.memory_space<vmem>>, %arg10: memref<512xi32, #tpu.memory_space<vmem>>, %arg11: memref<8192xi32, #tpu.memory_space<vmem>>, %arg12: memref<!tpu.dma_semaphore, #tpu.memory_space<semaphore_mem>>, %arg13: memref<!tpu.dma_semaphore, #tpu.memory_space<semaphore_mem>>) attributes {dimension_semantics = [#tpu.dimension_semantics<core_parallel>, #tpu.dimension_semantics<subcore_parallel>], iteration_bounds = array<i64: 2, 16>, scalar_prefetch = 0 : i64, scratch_operands = 6 : i64, tpu.core_type = #tpu.core_type<sc_vector_subcore>, window_params = [{transform_indices = #map}, {transform_indices = #map}, {transform_indices = #map}, {transform_indices = #map}, {transform_indices = #map}, {transform_indices = #map}]} {
    %mul3A = arith.constant 2 : i32
    %mul3A_0 = arith.muli %arg1, %mul3A : i32
    %add3A = arith.addi %mul3A_0, %arg0 : i32
    %mul3A_1 = arith.constant 512 : i32
    %mul3A_2 = arith.muli %add3A, %mul3A_1 : i32
    "tpu.region"() ({
      %run_scoped3A = tpu.sem_alloc : memref<!tpu.dma_semaphore, #tpu.memory_space<semaphore_mem>>
      %dma_start3A = tpu.memref_slice %arg3[%mul3A_2] : memref<16384xi32, #tpu.memory_space<hbm>> -> memref<512xi32, #tpu.memory_space<hbm>>
      %dma_start3A_45 = tpu.memref_slice %arg3[%mul3A_2] : memref<16384xi32, #tpu.memory_space<hbm>> -> memref<512xi32, #tpu.memory_space<hbm>>
      tpu.enqueue_dma source(%dma_start3A_45 : memref<512xi32, #tpu.memory_space<hbm>>) target(%arg8 : memref<512xi32, #tpu.memory_space<vmem>>) target_semaphore(%run_scoped3A : memref<!tpu.dma_semaphore, #tpu.memory_space<semaphore_mem>>)
      %dma_wait3A_46 = tpu.memref_slice %arg3[%mul3A_2] : memref<16384xi32, #tpu.memory_space<hbm>> -> memref<512xi32, #tpu.memory_space<hbm>>
      %dma_wait3A_47 = tpu.memref_slice %arg3[%mul3A_2] : memref<16384xi32, #tpu.memory_space<hbm>> -> memref<512xi32, #tpu.memory_space<hbm>>
      tpu.wait_dma2 semaphore(%run_scoped3A : memref<!tpu.dma_semaphore, #tpu.memory_space<semaphore_mem>>) src(%dma_wait3A_47 : memref<512xi32, #tpu.memory_space<hbm>>) dst(%arg8 : memref<512xi32, #tpu.memory_space<vmem>>)
      tpu.yield
    }) : () -> ()
    "tpu.region"() ({
      %run_scoped3A = tpu.sem_alloc : memref<!tpu.dma_semaphore, #tpu.memory_space<semaphore_mem>>
      %dma_start3A = tpu.memref_slice %arg5[%mul3A_2] : memref<16384xi32, #tpu.memory_space<hbm>> -> memref<512xi32, #tpu.memory_space<hbm>>
      %dma_start3A_45 = tpu.memref_slice %arg5[%mul3A_2] : memref<16384xi32, #tpu.memory_space<hbm>> -> memref<512xi32, #tpu.memory_space<hbm>>
      tpu.enqueue_dma source(%dma_start3A_45 : memref<512xi32, #tpu.memory_space<hbm>>) target(%arg10 : memref<512xi32, #tpu.memory_space<vmem>>) target_semaphore(%run_scoped3A : memref<!tpu.dma_semaphore, #tpu.memory_space<semaphore_mem>>)
      %dma_wait3A_46 = tpu.memref_slice %arg5[%mul3A_2] : memref<16384xi32, #tpu.memory_space<hbm>> -> memref<512xi32, #tpu.memory_space<hbm>>
      %dma_wait3A_47 = tpu.memref_slice %arg5[%mul3A_2] : memref<16384xi32, #tpu.memory_space<hbm>> -> memref<512xi32, #tpu.memory_space<hbm>>
      tpu.wait_dma2 semaphore(%run_scoped3A : memref<!tpu.dma_semaphore, #tpu.memory_space<semaphore_mem>>) src(%dma_wait3A_47 : memref<512xi32, #tpu.memory_space<hbm>>) dst(%arg10 : memref<512xi32, #tpu.memory_space<vmem>>)
      tpu.yield
    }) : () -> ()
    %scan3A = arith.constant 0 : i32
    %scan3A_3 = arith.constant 0 : i32
    %scan3A_4 = arith.constant 16 : i32
    %scan3A_5 = arith.addi %scan3A_3, %scan3A_4 : i32
    %scan3A_6 = arith.constant 1 : i32
    scf.for %scan3A_45 = %scan3A_3 to %scan3A_5 step %scan3A_6  : i32 {
      %mul3A_46 = arith.constant 16 : i32
      %mul3A_47 = arith.muli %scan3A_45, %mul3A_46 : i32
      %add3A_48 = arith.constant 0 : i32
      %add3A_49 = arith.addi %add3A_48, %mul3A_47 : i32
      %get3A = arith.index_cast %add3A_49 : i32 to index
      %get3A_50 = tpu.vector_load %arg8[%get3A] {strides = array<i32>} : memref<512xi32, #tpu.memory_space<vmem>>, vector<16xi32>,
      %get3A_51 = vector.shape_cast %get3A_50 : vector<16xi32> to vector<16xi32>
      %mul3A_52 = arith.constant 16 : i32
      %mul3A_53 = arith.muli %scan3A_45, %mul3A_52 : i32
      %add3A_54 = arith.constant 0 : i32
      %add3A_55 = arith.addi %add3A_54, %mul3A_53 : i32
      %get3A_56 = arith.index_cast %add3A_55 : i32 to index
      %get3A_57 = tpu.vector_load %arg10[%get3A_56] {strides = array<i32>} : memref<512xi32, #tpu.memory_space<vmem>>, vector<16xi32>,
      %get3A_58 = vector.shape_cast %get3A_57 : vector<16xi32> to vector<16xi32>
      %shift_right_arithmetic3A = arith.constant 13 : i32
      %shift_right_arithmetic3A_59 = vector.broadcast %shift_right_arithmetic3A : i32 to vector<16xi32>
      %shift_right_arithmetic3A_60 = arith.shrsi %get3A_51, %shift_right_arithmetic3A_59 : vector<16xi32>
      %shift_left3A = arith.constant 18 : i32
      %shift_left3A_61 = vector.broadcast %shift_left3A : i32 to vector<16xi32>
      %shift_left3A_62 = arith.shli %shift_right_arithmetic3A_60, %shift_left3A_61 : vector<16xi32>
      %and3A = arith.constant 2047 : i32
      %and3A_63 = vector.broadcast %and3A : i32 to vector<16xi32>
      %and3A_64 = arith.andi %get3A_51, %and3A_63 : vector<16xi32>
      %shift_left3A_65 = arith.constant 7 : i32
      %shift_left3A_66 = vector.broadcast %shift_left3A_65 : i32 to vector<16xi32>
      %shift_left3A_67 = arith.shli %and3A_64, %shift_left3A_66 : vector<16xi32>
      %add3A_68 = arith.addi %shift_left3A_62, %shift_left3A_67 : vector<16xi32>
      %shift_right_arithmetic3A_69 = arith.constant 11 : i32
      %shift_right_arithmetic3A_70 = vector.broadcast %shift_right_arithmetic3A_69 : i32 to vector<16xi32>
      %shift_right_arithmetic3A_71 = arith.shrsi %get3A_51, %shift_right_arithmetic3A_70 : vector<16xi32>
      %and3A_72 = arith.constant 3 : i32
      %and3A_73 = vector.broadcast %and3A_72 : i32 to vector<16xi32>
      %and3A_74 = arith.andi %shift_right_arithmetic3A_71, %and3A_73 : vector<16xi32>
      %shift_left3A_75 = arith.constant 5 : i32
      %shift_left3A_76 = vector.broadcast %shift_left3A_75 : i32 to vector<16xi32>
      %shift_left3A_77 = arith.shli %and3A_74, %shift_left3A_76 : vector<16xi32>
      %add3A_78 = arith.addi %add3A_68, %shift_left3A_77 : vector<16xi32>
      %shift_right_arithmetic3A_79 = arith.constant 13 : i32
      %shift_right_arithmetic3A_80 = vector.broadcast %shift_right_arithmetic3A_79 : i32 to vector<16xi32>
      %shift_right_arithmetic3A_81 = arith.shrsi %get3A_58, %shift_right_arithmetic3A_80 : vector<16xi32>
      %shift_left3A_82 = arith.constant 18 : i32
      %shift_left3A_83 = vector.broadcast %shift_left3A_82 : i32 to vector<16xi32>
      %shift_left3A_84 = arith.shli %shift_right_arithmetic3A_81, %shift_left3A_83 : vector<16xi32>
      %and3A_85 = arith.constant 2047 : i32
      %and3A_86 = vector.broadcast %and3A_85 : i32 to vector<16xi32>
      %and3A_87 = arith.andi %get3A_58, %and3A_86 : vector<16xi32>
      %shift_left3A_88 = arith.constant 7 : i32
      %shift_left3A_89 = vector.broadcast %shift_left3A_88 : i32 to vector<16xi32>
      %shift_left3A_90 = arith.shli %and3A_87, %shift_left3A_89 : vector<16xi32>
      %add3A_91 = arith.addi %shift_left3A_84, %shift_left3A_90 : vector<16xi32>
      %shift_right_arithmetic3A_92 = arith.constant 11 : i32
      %shift_right_arithmetic3A_93 = vector.broadcast %shift_right_arithmetic3A_92 : i32 to vector<16xi32>
      %shift_right_arithmetic3A_94 = arith.shrsi %get3A_58, %shift_right_arithmetic3A_93 : vector<16xi32>
      %and3A_95 = arith.constant 3 : i32
      %and3A_96 = vector.broadcast %and3A_95 : i32 to vector<16xi32>
      %and3A_97 = arith.andi %shift_right_arithmetic3A_94, %and3A_96 : vector<16xi32>
      %shift_left3A_98 = arith.constant 5 : i32
      %shift_left3A_99 = vector.broadcast %shift_left3A_98 : i32 to vector<16xi32>
      %shift_left3A_100 = arith.shli %and3A_97, %shift_left3A_99 : vector<16xi32>
      %add3A_101 = arith.addi %add3A_91, %shift_left3A_100 : vector<16xi32>
      %mul3A_102 = arith.constant 16 : i32
      %mul3A_103 = arith.muli %scan3A_45, %mul3A_102 : i32
      %add3A_104 = arith.constant 0 : i32
      %add3A_105 = arith.addi %mul3A_103, %add3A_104 : i32
      %mul3A_106 = arith.constant 32 : i32
      %mul3A_107 = arith.muli %add3A_105, %mul3A_106 : i32
      %slice3A = vector.extract_strided_slice %add3A_78 {offsets = [0], sizes = [1], strides = [1]} : vector<16xi32> to vector<1xi32>
      %squeeze3A = vector.extract %slice3A[0] : i32 from vector<1xi32>
      %multiple_of3A = tpu.assume_multiple %squeeze3A, 32 : i32
      %slice3A_108 = vector.extract_strided_slice %add3A_101 {offsets = [0], sizes = [1], strides = [1]} : vector<16xi32> to vector<1xi32>
      %squeeze3A_109 = vector.extract %slice3A_108[0] : i32 from vector<1xi32>
      %multiple_of3A_110 = tpu.assume_multiple %squeeze3A_109, 32 : i32
      %dma_start3A = tpu.memref_slice %arg9[%mul3A_107] : memref<8192xi32, #tpu.memory_space<vmem>> -> memref<32xi32, #tpu.memory_space<vmem>>
      %dma_start3A_111 = tpu.memref_slice %arg2[%multiple_of3A] : memref<32243712xi32, #tpu.memory_space<hbm>> -> memref<32xi32, #tpu.memory_space<hbm>>
      %dma_start3A_112 = tpu.memref_slice %arg9[%mul3A_107] : memref<8192xi32, #tpu.memory_space<vmem>> -> memref<32xi32, #tpu.memory_space<vmem>>
      %dma_start3A_113 = tpu.memref_slice %arg2[%multiple_of3A] : memref<32243712xi32, #tpu.memory_space<hbm>> -> memref<32xi32, #tpu.memory_space<hbm>>
      tpu.enqueue_dma source(%dma_start3A_113 : memref<32xi32, #tpu.memory_space<hbm>>) target(%dma_start3A_112 : memref<32xi32, #tpu.memory_space<vmem>>) target_semaphore(%arg12 : memref<!tpu.dma_semaphore, #tpu.memory_space<semaphore_mem>>)
      %dma_start3A_114 = tpu.memref_slice %arg11[%mul3A_107] : memref<8192xi32, #tpu.memory_space<vmem>> -> memref<32xi32, #tpu.memory_space<vmem>>
      %dma_start3A_115 = tpu.memref_slice %arg4[%multiple_of3A_110] : memref<3407872xi32, #tpu.memory_space<hbm>> -> memref<32xi32, #tpu.memory_space<hbm>>
      %dma_start3A_116 = tpu.memref_slice %arg11[%mul3A_107] : memref<8192xi32, #tpu.memory_space<vmem>> -> memref<32xi32, #tpu.memory_space<vmem>>
      %dma_start3A_117 = tpu.memref_slice %arg4[%multiple_of3A_110] : memref<3407872xi32, #tpu.memory_space<hbm>> -> memref<32xi32, #tpu.memory_space<hbm>>
      tpu.enqueue_dma source(%dma_start3A_117 : memref<32xi32, #tpu.memory_space<hbm>>) target(%dma_start3A_116 : memref<32xi32, #tpu.memory_space<vmem>>) target_semaphore(%arg13 : memref<!tpu.dma_semaphore, #tpu.memory_space<semaphore_mem>>)
      %mul3A_118 = arith.constant 16 : i32
      %mul3A_119 = arith.muli %scan3A_45, %mul3A_118 : i32
      %add3A_120 = arith.constant 1 : i32
      %add3A_121 = arith.addi %mul3A_119, %add3A_120 : i32
      %mul3A_122 = arith.constant 32 : i32
      %mul3A_123 = arith.muli %add3A_121, %mul3A_122 : i32
      %slice3A_124 = vector.extract_strided_slice %add3A_78 {offsets = [1], sizes = [1], strides = [1]} : vector<16xi32> to vector<1xi32>
      %squeeze3A_125 = vector.extract %slice3A_124[0] : i32 from vector<1xi32>
      %multiple_of3A_126 = tpu.assume_multiple %squeeze3A_125, 32 : i32
      %slice3A_127 = vector.extract_strided_slice %add3A_101 {offsets = [1], sizes = [1], strides = [1]} : vector<16xi32> to vector<1xi32>
      %squeeze3A_128 = vector.extract %slice3A_127[0] : i32 from vector<1xi32>
      %multiple_of3A_129 = tpu.assume_multiple %squeeze3A_128, 32 : i32
      %dma_start3A_130 = tpu.memref_slice %arg9[%mul3A_123] : memref<8192xi32, #tpu.memory_space<vmem>> -> memref<32xi32, #tpu.memory_space<vmem>>
      %dma_start3A_131 = tpu.memref_slice %arg2[%multiple_of3A_126] : memref<32243712xi32, #tpu.memory_space<hbm>> -> memref<32xi32, #tpu.memory_space<hbm>>
      %dma_start3A_132 = tpu.memref_slice %arg9[%mul3A_123] : memref<8192xi32, #tpu.memory_space<vmem>> -> memref<32xi32, #tpu.memory_space<vmem>>
      %dma_start3A_133 = tpu.memref_slice %arg2[%multiple_of3A_126] : memref<32243712xi32, #tpu.memory_space<hbm>> -> memref<32xi32, #tpu.memory_space<hbm>>
      tpu.enqueue_dma source(%dma_start3A_133 : memref<32xi32, #tpu.memory_space<hbm>>) target(%dma_start3A_132 : memref<32xi32, #tpu.memory_space<vmem>>) target_semaphore(%arg12 : memref<!tpu.dma_semaphore, #tpu.memory_space<semaphore_mem>>)
      %dma_start3A_134 = tpu.memref_slice %arg11[%mul3A_123] : memref<8192xi32, #tpu.memory_space<vmem>> -> memref<32xi32, #tpu.memory_space<vmem>>
      %dma_start3A_135 = tpu.memref_slice %arg4[%multiple_of3A_129] : memref<3407872xi32, #tpu.memory_space<hbm>> -> memref<32xi32, #tpu.memory_space<hbm>>
      %dma_start3A_136 = tpu.memref_slice %arg11[%mul3A_123] : memref<8192xi32, #tpu.memory_space<vmem>> -> memref<32xi32, #tpu.memory_space<vmem>>
      %dma_start3A_137 = tpu.memref_slice %arg4[%multiple_of3A_129] : memref<3407872xi32, #tpu.memory_space<hbm>> -> memref<32xi32, #tpu.memory_space<hbm>>
      tpu.enqueue_dma source(%dma_start3A_137 : memref<32xi32, #tpu.memory_space<hbm>>) target(%dma_start3A_136 : memref<32xi32, #tpu.memory_space<vmem>>) target_semaphore(%arg13 : memref<!tpu.dma_semaphore, #tpu.memory_space<semaphore_mem>>)
      %mul3A_138 = arith.constant 16 : i32
      %mul3A_139 = arith.muli %scan3A_45, %mul3A_138 : i32
      %add3A_140 = arith.constant 2 : i32
      %add3A_141 = arith.addi %mul3A_139, %add3A_140 : i32
      %mul3A_142 = arith.constant 32 : i32
      %mul3A_143 = arith.muli %add3A_141, %mul3A_142 : i32
      %slice3A_144 = vector.extract_strided_slice %add3A_78 {offsets = [2], sizes = [1], strides = [1]} : vector<16xi32> to vector<1xi32>
      %squeeze3A_145 = vector.extract %slice3A_144[0] : i32 from vector<1xi32>
      %multiple_of3A_146 = tpu.assume_multiple %squeeze3A_145, 32 : i32
      %slice3A_147 = vector.extract_strided_slice %add3A_101 {offsets = [2], sizes = [1], strides = [1]} : vector<16xi32> to vector<1xi32>
      %squeeze3A_148 = vector.extract %slice3A_147[0] : i32 from vector<1xi32>
      %multiple_of3A_149 = tpu.assume_multiple %squeeze3A_148, 32 : i32
      %dma_start3A_150 = tpu.memref_slice %arg9[%mul3A_143] : memref<8192xi32, #tpu.memory_space<vmem>> -> memref<32xi32, #tpu.memory_space<vmem>>
      %dma_start3A_151 = tpu.memref_slice %arg2[%multiple_of3A_146] : memref<32243712xi32, #tpu.memory_space<hbm>> -> memref<32xi32, #tpu.memory_space<hbm>>
      %dma_start3A_152 = tpu.memref_slice %arg9[%mul3A_143] : memref<8192xi32, #tpu.memory_space<vmem>> -> memref<32xi32, #tpu.memory_space<vmem>>
      %dma_start3A_153 = tpu.memref_slice %arg2[%multiple_of3A_146] : memref<32243712xi32, #tpu.memory_space<hbm>> -> memref<32xi32, #tpu.memory_space<hbm>>
      tpu.enqueue_dma source(%dma_start3A_153 : memref<32xi32, #tpu.memory_space<hbm>>) target(%dma_start3A_152 : memref<32xi32, #tpu.memory_space<vmem>>) target_semaphore(%arg12 : memref<!tpu.dma_semaphore, #tpu.memory_space<semaphore_mem>>)
      %dma_start3A_154 = tpu.memref_slice %arg11[%mul3A_143] : memref<8192xi32, #tpu.memory_space<vmem>> -> memref<32xi32, #tpu.memory_space<vmem>>
      %dma_start3A_155 = tpu.memref_slice %arg4[%multiple_of3A_149] : memref<3407872xi32, #tpu.memory_space<hbm>> -> memref<32xi32, #tpu.memory_space<hbm>>
      %dma_start3A_156 = tpu.memref_slice %arg11[%mul3A_143] : memref<8192xi32, #tpu.memory_space<vmem>> -> memref<32xi32, #tpu.memory_space<vmem>>
      %dma_start3A_157 = tpu.memref_slice %arg4[%multiple_of3A_149] : memref<3407872xi32, #tpu.memory_space<hbm>> -> memref<32xi32, #tpu.memory_space<hbm>>
      tpu.enqueue_dma source(%dma_start3A_157 : memref<32xi32, #tpu.memory_space<hbm>>) target(%dma_start3A_156 : memref<32xi32, #tpu.memory_space<vmem>>) target_semaphore(%arg13 : memref<!tpu.dma_semaphore, #tpu.memory_space<semaphore_mem>>)
      %mul3A_158 = arith.constant 16 : i32
      %mul3A_159 = arith.muli %scan3A_45, %mul3A_158 : i32
      %add3A_160 = arith.constant 3 : i32
      %add3A_161 = arith.addi %mul3A_159, %add3A_160 : i32
      %mul3A_162 = arith.constant 32 : i32
      %mul3A_163 = arith.muli %add3A_161, %mul3A_162 : i32
      %slice3A_164 = vector.extract_strided_slice %add3A_78 {offsets = [3], sizes = [1], strides = [1]} : vector<16xi32> to vector<1xi32>
      %squeeze3A_165 = vector.extract %slice3A_164[0] : i32 from vector<1xi32>
      %multiple_of3A_166 = tpu.assume_multiple %squeeze3A_165, 32 : i32
      %slice3A_167 = vector.extract_strided_slice %add3A_101 {offsets = [3], sizes = [1], strides = [1]} : vector<16xi32> to vector<1xi32>
      %squeeze3A_168 = vector.extract %slice3A_167[0] : i32 from vector<1xi32>
      %multiple_of3A_169 = tpu.assume_multiple %squeeze3A_168, 32 : i32
      %dma_start3A_170 = tpu.memref_slice %arg9[%mul3A_163] : memref<8192xi32, #tpu.memory_space<vmem>> -> memref<32xi32, #tpu.memory_space<vmem>>
      %dma_start3A_171 = tpu.memref_slice %arg2[%multiple_of3A_166] : memref<32243712xi32, #tpu.memory_space<hbm>> -> memref<32xi32, #tpu.memory_space<hbm>>
      %dma_start3A_172 = tpu.memref_slice %arg9[%mul3A_163] : memref<8192xi32, #tpu.memory_space<vmem>> -> memref<32xi32, #tpu.memory_space<vmem>>
      %dma_start3A_173 = tpu.memref_slice %arg2[%multiple_of3A_166] : memref<32243712xi32, #tpu.memory_space<hbm>> -> memref<32xi32, #tpu.memory_space<hbm>>
      tpu.enqueue_dma source(%dma_start3A_173 : memref<32xi32, #tpu.memory_space<hbm>>) target(%dma_start3A_172 : memref<32xi32, #tpu.memory_space<vmem>>) target_semaphore(%arg12 : memref<!tpu.dma_semaphore, #tpu.memory_space<semaphore_mem>>)
      %dma_start3A_174 = tpu.memref_slice %arg11[%mul3A_163] : memref<8192xi32, #tpu.memory_space<vmem>> -> memref<32xi32, #tpu.memory_space<vmem>>
      %dma_start3A_175 = tpu.memref_slice %arg4[%multiple_of3A_169] : memref<3407872xi32, #tpu.memory_space<hbm>> -> memref<32xi32, #tpu.memory_space<hbm>>
      %dma_start3A_176 = tpu.memref_slice %arg11[%mul3A_163] : memref<8192xi32, #tpu.memory_space<vmem>> -> memref<32xi32, #tpu.memory_space<vmem>>
      %dma_start3A_177 = tpu.memref_slice %arg4[%multiple_of3A_169] : memref<3407872xi32, #tpu.memory_space<hbm>> -> memref<32xi32, #tpu.memory_space<hbm>>
      tpu.enqueue_dma source(%dma_start3A_177 : memref<32xi32, #tpu.memory_space<hbm>>) target(%dma_start3A_176 : memref<32xi32, #tpu.memory_space<vmem>>) target_semaphore(%arg13 : memref<!tpu.dma_semaphore, #tpu.memory_space<semaphore_mem>>)
      %mul3A_178 = arith.constant 16 : i32
      %mul3A_179 = arith.muli %scan3A_45, %mul3A_178 : i32
      %add3A_180 = arith.constant 4 : i32
      %add3A_181 = arith.addi %mul3A_179, %add3A_180 : i32
      %mul3A_182 = arith.constant 32 : i32
      %mul3A_183 = arith.muli %add3A_181, %mul3A_182 : i32
      %slice3A_184 = vector.extract_strided_slice %add3A_78 {offsets = [4], sizes = [1], strides = [1]} : vector<16xi32> to vector<1xi32>
      %squeeze3A_185 = vector.extract %slice3A_184[0] : i32 from vector<1xi32>
      %multiple_of3A_186 = tpu.assume_multiple %squeeze3A_185, 32 : i32
      %slice3A_187 = vector.extract_strided_slice %add3A_101 {offsets = [4], sizes = [1], strides = [1]} : vector<16xi32> to vector<1xi32>
      %squeeze3A_188 = vector.extract %slice3A_187[0] : i32 from vector<1xi32>
      %multiple_of3A_189 = tpu.assume_multiple %squeeze3A_188, 32 : i32
      %dma_start3A_190 = tpu.memref_slice %arg9[%mul3A_183] : memref<8192xi32, #tpu.memory_space<vmem>> -> memref<32xi32, #tpu.memory_space<vmem>>
      %dma_start3A_191 = tpu.memref_slice %arg2[%multiple_of3A_186] : memref<32243712xi32, #tpu.memory_space<hbm>> -> memref<32xi32, #tpu.memory_space<hbm>>
      %dma_start3A_192 = tpu.memref_slice %arg9[%mul3A_183] : memref<8192xi32, #tpu.memory_space<vmem>> -> memref<32xi32, #tpu.memory_space<vmem>>
      %dma_start3A_193 = tpu.memref_slice %arg2[%multiple_of3A_186] : memref<32243712xi32, #tpu.memory_space<hbm>> -> memref<32xi32, #tpu.memory_space<hbm>>
      tpu.enqueue_dma source(%dma_start3A_193 : memref<32xi32, #tpu.memory_space<hbm>>) target(%dma_start3A_192 : memref<32xi32, #tpu.memory_space<vmem>>) target_semaphore(%arg12 : memref<!tpu.dma_semaphore, #tpu.memory_space<semaphore_mem>>)
      %dma_start3A_194 = tpu.memref_slice %arg11[%mul3A_183] : memref<8192xi32, #tpu.memory_space<vmem>> -> memref<32xi32, #tpu.memory_space<vmem>>
      %dma_start3A_195 = tpu.memref_slice %arg4[%multiple_of3A_189] : memref<3407872xi32, #tpu.memory_space<hbm>> -> memref<32xi32, #tpu.memory_space<hbm>>
      %dma_start3A_196 = tpu.memref_slice %arg11[%mul3A_183] : memref<8192xi32, #tpu.memory_space<vmem>> -> memref<32xi32, #tpu.memory_space<vmem>>
      %dma_start3A_197 = tpu.memref_slice %arg4[%multiple_of3A_189] : memref<3407872xi32, #tpu.memory_space<hbm>> -> memref<32xi32, #tpu.memory_space<hbm>>
      tpu.enqueue_dma source(%dma_start3A_197 : memref<32xi32, #tpu.memory_space<hbm>>) target(%dma_start3A_196 : memref<32xi32, #tpu.memory_space<vmem>>) target_semaphore(%arg13 : memref<!tpu.dma_semaphore, #tpu.memory_space<semaphore_mem>>)
      %mul3A_198 = arith.constant 16 : i32
      %mul3A_199 = arith.muli %scan3A_45, %mul3A_198 : i32
      %add3A_200 = arith.constant 5 : i32
      %add3A_201 = arith.addi %mul3A_199, %add3A_200 : i32
      %mul3A_202 = arith.constant 32 : i32
      %mul3A_203 = arith.muli %add3A_201, %mul3A_202 : i32
      %slice3A_204 = vector.extract_strided_slice %add3A_78 {offsets = [5], sizes = [1], strides = [1]} : vector<16xi32> to vector<1xi32>
      %squeeze3A_205 = vector.extract %slice3A_204[0] : i32 from vector<1xi32>
      %multiple_of3A_206 = tpu.assume_multiple %squeeze3A_205, 32 : i32
      %slice3A_207 = vector.extract_strided_slice %add3A_101 {offsets = [5], sizes = [1], strides = [1]} : vector<16xi32> to vector<1xi32>
      %squeeze3A_208 = vector.extract %slice3A_207[0] : i32 from vector<1xi32>
      %multiple_of3A_209 = tpu.assume_multiple %squeeze3A_208, 32 : i32
      %dma_start3A_210 = tpu.memref_slice %arg9[%mul3A_203] : memref<8192xi32, #tpu.memory_space<vmem>> -> memref<32xi32, #tpu.memory_space<vmem>>
      %dma_start3A_211 = tpu.memref_slice %arg2[%multiple_of3A_206] : memref<32243712xi32, #tpu.memory_space<hbm>> -> memref<32xi32, #tpu.memory_space<hbm>>
      %dma_start3A_212 = tpu.memref_slice %arg9[%mul3A_203] : memref<8192xi32, #tpu.memory_space<vmem>> -> memref<32xi32, #tpu.memory_space<vmem>>
      %dma_start3A_213 = tpu.memref_slice %arg2[%multiple_of3A_206] : memref<32243712xi32, #tpu.memory_space<hbm>> -> memref<32xi32, #tpu.memory_space<hbm>>
      tpu.enqueue_dma source(%dma_start3A_213 : memref<32xi32, #tpu.memory_space<hbm>>) target(%dma_start3A_212 : memref<32xi32, #tpu.memory_space<vmem>>) target_semaphore(%arg12 : memref<!tpu.dma_semaphore, #tpu.memory_space<semaphore_mem>>)
      %dma_start3A_214 = tpu.memref_slice %arg11[%mul3A_203] : memref<8192xi32, #tpu.memory_space<vmem>> -> memref<32xi32, #tpu.memory_space<vmem>>
      %dma_start3A_215 = tpu.memref_slice %arg4[%multiple_of3A_209] : memref<3407872xi32, #tpu.memory_space<hbm>> -> memref<32xi32, #tpu.memory_space<hbm>>
      %dma_start3A_216 = tpu.memref_slice %arg11[%mul3A_203] : memref<8192xi32, #tpu.memory_space<vmem>> -> memref<32xi32, #tpu.memory_space<vmem>>
      %dma_start3A_217 = tpu.memref_slice %arg4[%multiple_of3A_209] : memref<3407872xi32, #tpu.memory_space<hbm>> -> memref<32xi32, #tpu.memory_space<hbm>>
      tpu.enqueue_dma source(%dma_start3A_217 : memref<32xi32, #tpu.memory_space<hbm>>) target(%dma_start3A_216 : memref<32xi32, #tpu.memory_space<vmem>>) target_semaphore(%arg13 : memref<!tpu.dma_semaphore, #tpu.memory_space<semaphore_mem>>)
      %mul3A_218 = arith.constant 16 : i32
      %mul3A_219 = arith.muli %scan3A_45, %mul3A_218 : i32
      %add3A_220 = arith.constant 6 : i32
      %add3A_221 = arith.addi %mul3A_219, %add3A_220 : i32
      %mul3A_222 = arith.constant 32 : i32
      %mul3A_223 = arith.muli %add3A_221, %mul3A_222 : i32
      %slice3A_224 = vector.extract_strided_slice %add3A_78 {offsets = [6], sizes = [1], strides = [1]} : vector<16xi32> to vector<1xi32>
      %squeeze3A_225 = vector.extract %slice3A_224[0] : i32 from vector<1xi32>
      %multiple_of3A_226 = tpu.assume_multiple %squeeze3A_225, 32 : i32
      %slice3A_227 = vector.extract_strided_slice %add3A_101 {offsets = [6], sizes = [1], strides = [1]} : vector<16xi32> to vector<1xi32>
      %squeeze3A_228 = vector.extract %slice3A_227[0] : i32 from vector<1xi32>
      %multiple_of3A_229 = tpu.assume_multiple %squeeze3A_228, 32 : i32
      %dma_start3A_230 = tpu.memref_slice %arg9[%mul3A_223] : memref<8192xi32, #tpu.memory_space<vmem>> -> memref<32xi32, #tpu.memory_space<vmem>>
      %dma_start3A_231 = tpu.memref_slice %arg2[%multiple_of3A_226] : memref<32243712xi32, #tpu.memory_space<hbm>> -> memref<32xi32, #tpu.memory_space<hbm>>
      %dma_start3A_232 = tpu.memref_slice %arg9[%mul3A_223] : memref<8192xi32, #tpu.memory_space<vmem>> -> memref<32xi32, #tpu.memory_space<vmem>>
      %dma_start3A_233 = tpu.memref_slice %arg2[%multiple_of3A_226] : memref<32243712xi32, #tpu.memory_space<hbm>> -> memref<32xi32, #tpu.memory_space<hbm>>
      tpu.enqueue_dma source(%dma_start3A_233 : memref<32xi32, #tpu.memory_space<hbm>>) target(%dma_start3A_232 : memref<32xi32, #tpu.memory_space<vmem>>) target_semaphore(%arg12 : memref<!tpu.dma_semaphore, #tpu.memory_space<semaphore_mem>>)
      %dma_start3A_234 = tpu.memref_slice %arg11[%mul3A_223] : memref<8192xi32, #tpu.memory_space<vmem>> -> memref<32xi32, #tpu.memory_space<vmem>>
      %dma_start3A_235 = tpu.memref_slice %arg4[%multiple_of3A_229] : memref<3407872xi32, #tpu.memory_space<hbm>> -> memref<32xi32, #tpu.memory_space<hbm>>
      %dma_start3A_236 = tpu.memref_slice %arg11[%mul3A_223] : memref<8192xi32, #tpu.memory_space<vmem>> -> memref<32xi32, #tpu.memory_space<vmem>>
      %dma_start3A_237 = tpu.memref_slice %arg4[%multiple_of3A_229] : memref<3407872xi32, #tpu.memory_space<hbm>> -> memref<32xi32, #tpu.memory_space<hbm>>
      tpu.enqueue_dma source(%dma_start3A_237 : memref<32xi32, #tpu.memory_space<hbm>>) target(%dma_start3A_236 : memref<32xi32, #tpu.memory_space<vmem>>) target_semaphore(%arg13 : memref<!tpu.dma_semaphore, #tpu.memory_space<semaphore_mem>>)
      %mul3A_238 = arith.constant 16 : i32
      %mul3A_239 = arith.muli %scan3A_45, %mul3A_238 : i32
      %add3A_240 = arith.constant 7 : i32
      %add3A_241 = arith.addi %mul3A_239, %add3A_240 : i32
      %mul3A_242 = arith.constant 32 : i32
      %mul3A_243 = arith.muli %add3A_241, %mul3A_242 : i32
      %slice3A_244 = vector.extract_strided_slice %add3A_78 {offsets = [7], sizes = [1], strides = [1]} : vector<16xi32> to vector<1xi32>
      %squeeze3A_245 = vector.extract %slice3A_244[0] : i32 from vector<1xi32>
      %multiple_of3A_246 = tpu.assume_multiple %squeeze3A_245, 32 : i32
      %slice3A_247 = vector.extract_strided_slice %add3A_101 {offsets = [7], sizes = [1], strides = [1]} : vector<16xi32> to vector<1xi32>
      %squeeze3A_248 = vector.extract %slice3A_247[0] : i32 from vector<1xi32>
      %multiple_of3A_249 = tpu.assume_multiple %squeeze3A_248, 32 : i32
      %dma_start3A_250 = tpu.memref_slice %arg9[%mul3A_243] : memref<8192xi32, #tpu.memory_space<vmem>> -> memref<32xi32, #tpu.memory_space<vmem>>
      %dma_start3A_251 = tpu.memref_slice %arg2[%multiple_of3A_246] : memref<32243712xi32, #tpu.memory_space<hbm>> -> memref<32xi32, #tpu.memory_space<hbm>>
      %dma_start3A_252 = tpu.memref_slice %arg9[%mul3A_243] : memref<8192xi32, #tpu.memory_space<vmem>> -> memref<32xi32, #tpu.memory_space<vmem>>
      %dma_start3A_253 = tpu.memref_slice %arg2[%multiple_of3A_246] : memref<32243712xi32, #tpu.memory_space<hbm>> -> memref<32xi32, #tpu.memory_space<hbm>>
      tpu.enqueue_dma source(%dma_start3A_253 : memref<32xi32, #tpu.memory_space<hbm>>) target(%dma_start3A_252 : memref<32xi32, #tpu.memory_space<vmem>>) target_semaphore(%arg12 : memref<!tpu.dma_semaphore, #tpu.memory_space<semaphore_mem>>)
      %dma_start3A_254 = tpu.memref_slice %arg11[%mul3A_243] : memref<8192xi32, #tpu.memory_space<vmem>> -> memref<32xi32, #tpu.memory_space<vmem>>
      %dma_start3A_255 = tpu.memref_slice %arg4[%multiple_of3A_249] : memref<3407872xi32, #tpu.memory_space<hbm>> -> memref<32xi32, #tpu.memory_space<hbm>>
      %dma_start3A_256 = tpu.memref_slice %arg11[%mul3A_243] : memref<8192xi32, #tpu.memory_space<vmem>> -> memref<32xi32, #tpu.memory_space<vmem>>
      %dma_start3A_257 = tpu.memref_slice %arg4[%multiple_of3A_249] : memref<3407872xi32, #tpu.memory_space<hbm>> -> memref<32xi32, #tpu.memory_space<hbm>>
      tpu.enqueue_dma source(%dma_start3A_257 : memref<32xi32, #tpu.memory_space<hbm>>) target(%dma_start3A_256 : memref<32xi32, #tpu.memory_space<vmem>>) target_semaphore(%arg13 : memref<!tpu.dma_semaphore, #tpu.memory_space<semaphore_mem>>)
      %mul3A_258 = arith.constant 16 : i32
      %mul3A_259 = arith.muli %scan3A_45, %mul3A_258 : i32
      %add3A_260 = arith.constant 8 : i32
      %add3A_261 = arith.addi %mul3A_259, %add3A_260 : i32
      %mul3A_262 = arith.constant 32 : i32
      %mul3A_263 = arith.muli %add3A_261, %mul3A_262 : i32
      %slice3A_264 = vector.extract_strided_slice %add3A_78 {offsets = [8], sizes = [1], strides = [1]} : vector<16xi32> to vector<1xi32>
      %squeeze3A_265 = vector.extract %slice3A_264[0] : i32 from vector<1xi32>
      %multiple_of3A_266 = tpu.assume_multiple %squeeze3A_265, 32 : i32
      %slice3A_267 = vector.extract_strided_slice %add3A_101 {offsets = [8], sizes = [1], strides = [1]} : vector<16xi32> to vector<1xi32>
      %squeeze3A_268 = vector.extract %slice3A_267[0] : i32 from vector<1xi32>
      %multiple_of3A_269 = tpu.assume_multiple %squeeze3A_268, 32 : i32
      %dma_start3A_270 = tpu.memref_slice %arg9[%mul3A_263] : memref<8192xi32, #tpu.memory_space<vmem>> -> memref<32xi32, #tpu.memory_space<vmem>>
      %dma_start3A_271 = tpu.memref_slice %arg2[%multiple_of3A_266] : memref<32243712xi32, #tpu.memory_space<hbm>> -> memref<32xi32, #tpu.memory_space<hbm>>
      %dma_start3A_272 = tpu.memref_slice %arg9[%mul3A_263] : memref<8192xi32, #tpu.memory_space<vmem>> -> memref<32xi32, #tpu.memory_space<vmem>>
      %dma_start3A_273 = tpu.memref_slice %arg2[%multiple_of3A_266] : memref<32243712xi32, #tpu.memory_space<hbm>> -> memref<32xi32, #tpu.memory_space<hbm>>
      tpu.enqueue_dma source(%dma_start3A_273 : memref<32xi32, #tpu.memory_space<hbm>>) target(%dma_start3A_272 : memref<32xi32, #tpu.memory_space<vmem>>) target_semaphore(%arg12 : memref<!tpu.dma_semaphore, #tpu.memory_space<semaphore_mem>>)
      %dma_start3A_274 = tpu.memref_slice %arg11[%mul3A_263] : memref<8192xi32, #tpu.memory_space<vmem>> -> memref<32xi32, #tpu.memory_space<vmem>>
      %dma_start3A_275 = tpu.memref_slice %arg4[%multiple_of3A_269] : memref<3407872xi32, #tpu.memory_space<hbm>> -> memref<32xi32, #tpu.memory_space<hbm>>
      %dma_start3A_276 = tpu.memref_slice %arg11[%mul3A_263] : memref<8192xi32, #tpu.memory_space<vmem>> -> memref<32xi32, #tpu.memory_space<vmem>>
      %dma_start3A_277 = tpu.memref_slice %arg4[%multiple_of3A_269] : memref<3407872xi32, #tpu.memory_space<hbm>> -> memref<32xi32, #tpu.memory_space<hbm>>
      tpu.enqueue_dma source(%dma_start3A_277 : memref<32xi32, #tpu.memory_space<hbm>>) target(%dma_start3A_276 : memref<32xi32, #tpu.memory_space<vmem>>) target_semaphore(%arg13 : memref<!tpu.dma_semaphore, #tpu.memory_space<semaphore_mem>>)
      %mul3A_278 = arith.constant 16 : i32
      %mul3A_279 = arith.muli %scan3A_45, %mul3A_278 : i32
      %add3A_280 = arith.constant 9 : i32
      %add3A_281 = arith.addi %mul3A_279, %add3A_280 : i32
      %mul3A_282 = arith.constant 32 : i32
      %mul3A_283 = arith.muli %add3A_281, %mul3A_282 : i32
      %slice3A_284 = vector.extract_strided_slice %add3A_78 {offsets = [9], sizes = [1], strides = [1]} : vector<16xi32> to vector<1xi32>
      %squeeze3A_285 = vector.extract %slice3A_284[0] : i32 from vector<1xi32>
      %multiple_of3A_286 = tpu.assume_multiple %squeeze3A_285, 32 : i32
      %slice3A_287 = vector.extract_strided_slice %add3A_101 {offsets = [9], sizes = [1], strides = [1]} : vector<16xi32> to vector<1xi32>
      %squeeze3A_288 = vector.extract %slice3A_287[0] : i32 from vector<1xi32>
      %multiple_of3A_289 = tpu.assume_multiple %squeeze3A_288, 32 : i32
      %dma_start3A_290 = tpu.memref_slice %arg9[%mul3A_283] : memref<8192xi32, #tpu.memory_space<vmem>> -> memref<32xi32, #tpu.memory_space<vmem>>
      %dma_start3A_291 = tpu.memref_slice %arg2[%multiple_of3A_286] : memref<32243712xi32, #tpu.memory_space<hbm>> -> memref<32xi32, #tpu.memory_space<hbm>>
      %dma_start3A_292 = tpu.memref_slice %arg9[%mul3A_283] : memref<8192xi32, #tpu.memory_space<vmem>> -> memref<32xi32, #tpu.memory_space<vmem>>
      %dma_start3A_293 = tpu.memref_slice %arg2[%multiple_of3A_286] : memref<32243712xi32, #tpu.memory_space<hbm>> -> memref<32xi32, #tpu.memory_space<hbm>>
      tpu.enqueue_dma source(%dma_start3A_293 : memref<32xi32, #tpu.memory_space<hbm>>) target(%dma_start3A_292 : memref<32xi32, #tpu.memory_space<vmem>>) target_semaphore(%arg12 : memref<!tpu.dma_semaphore, #tpu.memory_space<semaphore_mem>>)
      %dma_start3A_294 = tpu.memref_slice %arg11[%mul3A_283] : memref<8192xi32, #tpu.memory_space<vmem>> -> memref<32xi32, #tpu.memory_space<vmem>>
      %dma_start3A_295 = tpu.memref_slice %arg4[%multiple_of3A_289] : memref<3407872xi32, #tpu.memory_space<hbm>> -> memref<32xi32, #tpu.memory_space<hbm>>
      %dma_start3A_296 = tpu.memref_slice %arg11[%mul3A_283] : memref<8192xi32, #tpu.memory_space<vmem>> -> memref<32xi32, #tpu.memory_space<vmem>>
      %dma_start3A_297 = tpu.memref_slice %arg4[%multiple_of3A_289] : memref<3407872xi32, #tpu.memory_space<hbm>> -> memref<32xi32, #tpu.memory_space<hbm>>
      tpu.enqueue_dma source(%dma_start3A_297 : memref<32xi32, #tpu.memory_space<hbm>>) target(%dma_start3A_296 : memref<32xi32, #tpu.memory_space<vmem>>) target_semaphore(%arg13 : memref<!tpu.dma_semaphore, #tpu.memory_space<semaphore_mem>>)
      %mul3A_298 = arith.constant 16 : i32
      %mul3A_299 = arith.muli %scan3A_45, %mul3A_298 : i32
      %add3A_300 = arith.constant 10 : i32
      %add3A_301 = arith.addi %mul3A_299, %add3A_300 : i32
      %mul3A_302 = arith.constant 32 : i32
      %mul3A_303 = arith.muli %add3A_301, %mul3A_302 : i32
      %slice3A_304 = vector.extract_strided_slice %add3A_78 {offsets = [10], sizes = [1], strides = [1]} : vector<16xi32> to vector<1xi32>
      %squeeze3A_305 = vector.extract %slice3A_304[0] : i32 from vector<1xi32>
      %multiple_of3A_306 = tpu.assume_multiple %squeeze3A_305, 32 : i32
      %slice3A_307 = vector.extract_strided_slice %add3A_101 {offsets = [10], sizes = [1], strides = [1]} : vector<16xi32> to vector<1xi32>
      %squeeze3A_308 = vector.extract %slice3A_307[0] : i32 from vector<1xi32>
      %multiple_of3A_309 = tpu.assume_multiple %squeeze3A_308, 32 : i32
      %dma_start3A_310 = tpu.memref_slice %arg9[%mul3A_303] : memref<8192xi32, #tpu.memory_space<vmem>> -> memref<32xi32, #tpu.memory_space<vmem>>
      %dma_start3A_311 = tpu.memref_slice %arg2[%multiple_of3A_306] : memref<32243712xi32, #tpu.memory_space<hbm>> -> memref<32xi32, #tpu.memory_space<hbm>>
      %dma_start3A_312 = tpu.memref_slice %arg9[%mul3A_303] : memref<8192xi32, #tpu.memory_space<vmem>> -> memref<32xi32, #tpu.memory_space<vmem>>
      %dma_start3A_313 = tpu.memref_slice %arg2[%multiple_of3A_306] : memref<32243712xi32, #tpu.memory_space<hbm>> -> memref<32xi32, #tpu.memory_space<hbm>>
      tpu.enqueue_dma source(%dma_start3A_313 : memref<32xi32, #tpu.memory_space<hbm>>) target(%dma_start3A_312 : memref<32xi32, #tpu.memory_space<vmem>>) target_semaphore(%arg12 : memref<!tpu.dma_semaphore, #tpu.memory_space<semaphore_mem>>)
      %dma_start3A_314 = tpu.memref_slice %arg11[%mul3A_303] : memref<8192xi32, #tpu.memory_space<vmem>> -> memref<32xi32, #tpu.memory_space<vmem>>
      %dma_start3A_315 = tpu.memref_slice %arg4[%multiple_of3A_309] : memref<3407872xi32, #tpu.memory_space<hbm>> -> memref<32xi32, #tpu.memory_space<hbm>>
      %dma_start3A_316 = tpu.memref_slice %arg11[%mul3A_303] : memref<8192xi32, #tpu.memory_space<vmem>> -> memref<32xi32, #tpu.memory_space<vmem>>
      %dma_start3A_317 = tpu.memref_slice %arg4[%multiple_of3A_309] : memref<3407872xi32, #tpu.memory_space<hbm>> -> memref<32xi32, #tpu.memory_space<hbm>>
      tpu.enqueue_dma source(%dma_start3A_317 : memref<32xi32, #tpu.memory_space<hbm>>) target(%dma_start3A_316 : memref<32xi32, #tpu.memory_space<vmem>>) target_semaphore(%arg13 : memref<!tpu.dma_semaphore, #tpu.memory_space<semaphore_mem>>)
      %mul3A_318 = arith.constant 16 : i32
      %mul3A_319 = arith.muli %scan3A_45, %mul3A_318 : i32
      %add3A_320 = arith.constant 11 : i32
      %add3A_321 = arith.addi %mul3A_319, %add3A_320 : i32
      %mul3A_322 = arith.constant 32 : i32
      %mul3A_323 = arith.muli %add3A_321, %mul3A_322 : i32
      %slice3A_324 = vector.extract_strided_slice %add3A_78 {offsets = [11], sizes = [1], strides = [1]} : vector<16xi32> to vector<1xi32>
      %squeeze3A_325 = vector.extract %slice3A_324[0] : i32 from vector<1xi32>
      %multiple_of3A_326 = tpu.assume_multiple %squeeze3A_325, 32 : i32
      %slice3A_327 = vector.extract_strided_slice %add3A_101 {offsets = [11], sizes = [1], strides = [1]} : vector<16xi32> to vector<1xi32>
      %squeeze3A_328 = vector.extract %slice3A_327[0] : i32 from vector<1xi32>
      %multiple_of3A_329 = tpu.assume_multiple %squeeze3A_328, 32 : i32
      %dma_start3A_330 = tpu.memref_slice %arg9[%mul3A_323] : memref<8192xi32, #tpu.memory_space<vmem>> -> memref<32xi32, #tpu.memory_space<vmem>>
      %dma_start3A_331 = tpu.memref_slice %arg2[%multiple_of3A_326] : memref<32243712xi32, #tpu.memory_space<hbm>> -> memref<32xi32, #tpu.memory_space<hbm>>
      %dma_start3A_332 = tpu.memref_slice %arg9[%mul3A_323] : memref<8192xi32, #tpu.memory_space<vmem>> -> memref<32xi32, #tpu.memory_space<vmem>>
      %dma_start3A_333 = tpu.memref_slice %arg2[%multiple_of3A_326] : memref<32243712xi32, #tpu.memory_space<hbm>> -> memref<32xi32, #tpu.memory_space<hbm>>
      tpu.enqueue_dma source(%dma_start3A_333 : memref<32xi32, #tpu.memory_space<hbm>>) target(%dma_start3A_332 : memref<32xi32, #tpu.memory_space<vmem>>) target_semaphore(%arg12 : memref<!tpu.dma_semaphore, #tpu.memory_space<semaphore_mem>>)
      %dma_start3A_334 = tpu.memref_slice %arg11[%mul3A_323] : memref<8192xi32, #tpu.memory_space<vmem>> -> memref<32xi32, #tpu.memory_space<vmem>>
      %dma_start3A_335 = tpu.memref_slice %arg4[%multiple_of3A_329] : memref<3407872xi32, #tpu.memory_space<hbm>> -> memref<32xi32, #tpu.memory_space<hbm>>
      %dma_start3A_336 = tpu.memref_slice %arg11[%mul3A_323] : memref<8192xi32, #tpu.memory_space<vmem>> -> memref<32xi32, #tpu.memory_space<vmem>>
      %dma_start3A_337 = tpu.memref_slice %arg4[%multiple_of3A_329] : memref<3407872xi32, #tpu.memory_space<hbm>> -> memref<32xi32, #tpu.memory_space<hbm>>
      tpu.enqueue_dma source(%dma_start3A_337 : memref<32xi32, #tpu.memory_space<hbm>>) target(%dma_start3A_336 : memref<32xi32, #tpu.memory_space<vmem>>) target_semaphore(%arg13 : memref<!tpu.dma_semaphore, #tpu.memory_space<semaphore_mem>>)
      %mul3A_338 = arith.constant 16 : i32
      %mul3A_339 = arith.muli %scan3A_45, %mul3A_338 : i32
      %add3A_340 = arith.constant 12 : i32
      %add3A_341 = arith.addi %mul3A_339, %add3A_340 : i32
      %mul3A_342 = arith.constant 32 : i32
      %mul3A_343 = arith.muli %add3A_341, %mul3A_342 : i32
      %slice3A_344 = vector.extract_strided_slice %add3A_78 {offsets = [12], sizes = [1], strides = [1]} : vector<16xi32> to vector<1xi32>
      %squeeze3A_345 = vector.extract %slice3A_344[0] : i32 from vector<1xi32>
      %multiple_of3A_346 = tpu.assume_multiple %squeeze3A_345, 32 : i32
      %slice3A_347 = vector.extract_strided_slice %add3A_101 {offsets = [12], sizes = [1], strides = [1]} : vector<16xi32> to vector<1xi32>
      %squeeze3A_348 = vector.extract %slice3A_347[0] : i32 from vector<1xi32>
      %multiple_of3A_349 = tpu.assume_multiple %squeeze3A_348, 32 : i32
      %dma_start3A_350 = tpu.memref_slice %arg9[%mul3A_343] : memref<8192xi32, #tpu.memory_space<vmem>> -> memref<32xi32, #tpu.memory_space<vmem>>
      %dma_start3A_351 = tpu.memref_slice %arg2[%multiple_of3A_346] : memref<32243712xi32, #tpu.memory_space<hbm>> -> memref<32xi32, #tpu.memory_space<hbm>>
      %dma_start3A_352 = tpu.memref_slice %arg9[%mul3A_343] : memref<8192xi32, #tpu.memory_space<vmem>> -> memref<32xi32, #tpu.memory_space<vmem>>
      %dma_start3A_353 = tpu.memref_slice %arg2[%multiple_of3A_346] : memref<32243712xi32, #tpu.memory_space<hbm>> -> memref<32xi32, #tpu.memory_space<hbm>>
      tpu.enqueue_dma source(%dma_start3A_353 : memref<32xi32, #tpu.memory_space<hbm>>) target(%dma_start3A_352 : memref<32xi32, #tpu.memory_space<vmem>>) target_semaphore(%arg12 : memref<!tpu.dma_semaphore, #tpu.memory_space<semaphore_mem>>)
      %dma_start3A_354 = tpu.memref_slice %arg11[%mul3A_343] : memref<8192xi32, #tpu.memory_space<vmem>> -> memref<32xi32, #tpu.memory_space<vmem>>
      %dma_start3A_355 = tpu.memref_slice %arg4[%multiple_of3A_349] : memref<3407872xi32, #tpu.memory_space<hbm>> -> memref<32xi32, #tpu.memory_space<hbm>>
      %dma_start3A_356 = tpu.memref_slice %arg11[%mul3A_343] : memref<8192xi32, #tpu.memory_space<vmem>> -> memref<32xi32, #tpu.memory_space<vmem>>
      %dma_start3A_357 = tpu.memref_slice %arg4[%multiple_of3A_349] : memref<3407872xi32, #tpu.memory_space<hbm>> -> memref<32xi32, #tpu.memory_space<hbm>>
      tpu.enqueue_dma source(%dma_start3A_357 : memref<32xi32, #tpu.memory_space<hbm>>) target(%dma_start3A_356 : memref<32xi32, #tpu.memory_space<vmem>>) target_semaphore(%arg13 : memref<!tpu.dma_semaphore, #tpu.memory_space<semaphore_mem>>)
      %mul3A_358 = arith.constant 16 : i32
      %mul3A_359 = arith.muli %scan3A_45, %mul3A_358 : i32
      %add3A_360 = arith.constant 13 : i32
      %add3A_361 = arith.addi %mul3A_359, %add3A_360 : i32
      %mul3A_362 = arith.constant 32 : i32
      %mul3A_363 = arith.muli %add3A_361, %mul3A_362 : i32
      %slice3A_364 = vector.extract_strided_slice %add3A_78 {offsets = [13], sizes = [1], strides = [1]} : vector<16xi32> to vector<1xi32>
      %squeeze3A_365 = vector.extract %slice3A_364[0] : i32 from vector<1xi32>
      %multiple_of3A_366 = tpu.assume_multiple %squeeze3A_365, 32 : i32
      %slice3A_367 = vector.extract_strided_slice %add3A_101 {offsets = [13], sizes = [1], strides = [1]} : vector<16xi32> to vector<1xi32>
      %squeeze3A_368 = vector.extract %slice3A_367[0] : i32 from vector<1xi32>
      %multiple_of3A_369 = tpu.assume_multiple %squeeze3A_368, 32 : i32
      %dma_start3A_370 = tpu.memref_slice %arg9[%mul3A_363] : memref<8192xi32, #tpu.memory_space<vmem>> -> memref<32xi32, #tpu.memory_space<vmem>>
      %dma_start3A_371 = tpu.memref_slice %arg2[%multiple_of3A_366] : memref<32243712xi32, #tpu.memory_space<hbm>> -> memref<32xi32, #tpu.memory_space<hbm>>
      %dma_start3A_372 = tpu.memref_slice %arg9[%mul3A_363] : memref<8192xi32, #tpu.memory_space<vmem>> -> memref<32xi32, #tpu.memory_space<vmem>>
      %dma_start3A_373 = tpu.memref_slice %arg2[%multiple_of3A_366] : memref<32243712xi32, #tpu.memory_space<hbm>> -> memref<32xi32, #tpu.memory_space<hbm>>
      tpu.enqueue_dma source(%dma_start3A_373 : memref<32xi32, #tpu.memory_space<hbm>>) target(%dma_start3A_372 : memref<32xi32, #tpu.memory_space<vmem>>) target_semaphore(%arg12 : memref<!tpu.dma_semaphore, #tpu.memory_space<semaphore_mem>>)
      %dma_start3A_374 = tpu.memref_slice %arg11[%mul3A_363] : memref<8192xi32, #tpu.memory_space<vmem>> -> memref<32xi32, #tpu.memory_space<vmem>>
      %dma_start3A_375 = tpu.memref_slice %arg4[%multiple_of3A_369] : memref<3407872xi32, #tpu.memory_space<hbm>> -> memref<32xi32, #tpu.memory_space<hbm>>
      %dma_start3A_376 = tpu.memref_slice %arg11[%mul3A_363] : memref<8192xi32, #tpu.memory_space<vmem>> -> memref<32xi32, #tpu.memory_space<vmem>>
      %dma_start3A_377 = tpu.memref_slice %arg4[%multiple_of3A_369] : memref<3407872xi32, #tpu.memory_space<hbm>> -> memref<32xi32, #tpu.memory_space<hbm>>
      tpu.enqueue_dma source(%dma_start3A_377 : memref<32xi32, #tpu.memory_space<hbm>>) target(%dma_start3A_376 : memref<32xi32, #tpu.memory_space<vmem>>) target_semaphore(%arg13 : memref<!tpu.dma_semaphore, #tpu.memory_space<semaphore_mem>>)
      %mul3A_378 = arith.constant 16 : i32
      %mul3A_379 = arith.muli %scan3A_45, %mul3A_378 : i32
      %add3A_380 = arith.constant 14 : i32
      %add3A_381 = arith.addi %mul3A_379, %add3A_380 : i32
      %mul3A_382 = arith.constant 32 : i32
      %mul3A_383 = arith.muli %add3A_381, %mul3A_382 : i32
      %slice3A_384 = vector.extract_strided_slice %add3A_78 {offsets = [14], sizes = [1], strides = [1]} : vector<16xi32> to vector<1xi32>
      %squeeze3A_385 = vector.extract %slice3A_384[0] : i32 from vector<1xi32>
      %multiple_of3A_386 = tpu.assume_multiple %squeeze3A_385, 32 : i32
      %slice3A_387 = vector.extract_strided_slice %add3A_101 {offsets = [14], sizes = [1], strides = [1]} : vector<16xi32> to vector<1xi32>
      %squeeze3A_388 = vector.extract %slice3A_387[0] : i32 from vector<1xi32>
      %multiple_of3A_389 = tpu.assume_multiple %squeeze3A_388, 32 : i32
      %dma_start3A_390 = tpu.memref_slice %arg9[%mul3A_383] : memref<8192xi32, #tpu.memory_space<vmem>> -> memref<32xi32, #tpu.memory_space<vmem>>
      %dma_start3A_391 = tpu.memref_slice %arg2[%multiple_of3A_386] : memref<32243712xi32, #tpu.memory_space<hbm>> -> memref<32xi32, #tpu.memory_space<hbm>>
      %dma_start3A_392 = tpu.memref_slice %arg9[%mul3A_383] : memref<8192xi32, #tpu.memory_space<vmem>> -> memref<32xi32, #tpu.memory_space<vmem>>
      %dma_start3A_393 = tpu.memref_slice %arg2[%multiple_of3A_386] : memref<32243712xi32, #tpu.memory_space<hbm>> -> memref<32xi32, #tpu.memory_space<hbm>>
      tpu.enqueue_dma source(%dma_start3A_393 : memref<32xi32, #tpu.memory_space<hbm>>) target(%dma_start3A_392 : memref<32xi32, #tpu.memory_space<vmem>>) target_semaphore(%arg12 : memref<!tpu.dma_semaphore, #tpu.memory_space<semaphore_mem>>)
      %dma_start3A_394 = tpu.memref_slice %arg11[%mul3A_383] : memref<8192xi32, #tpu.memory_space<vmem>> -> memref<32xi32, #tpu.memory_space<vmem>>
      %dma_start3A_395 = tpu.memref_slice %arg4[%multiple_of3A_389] : memref<3407872xi32, #tpu.memory_space<hbm>> -> memref<32xi32, #tpu.memory_space<hbm>>
      %dma_start3A_396 = tpu.memref_slice %arg11[%mul3A_383] : memref<8192xi32, #tpu.memory_space<vmem>> -> memref<32xi32, #tpu.memory_space<vmem>>
      %dma_start3A_397 = tpu.memref_slice %arg4[%multiple_of3A_389] : memref<3407872xi32, #tpu.memory_space<hbm>> -> memref<32xi32, #tpu.memory_space<hbm>>
      tpu.enqueue_dma source(%dma_start3A_397 : memref<32xi32, #tpu.memory_space<hbm>>) target(%dma_start3A_396 : memref<32xi32, #tpu.memory_space<vmem>>) target_semaphore(%arg13 : memref<!tpu.dma_semaphore, #tpu.memory_space<semaphore_mem>>)
      %mul3A_398 = arith.constant 16 : i32
      %mul3A_399 = arith.muli %scan3A_45, %mul3A_398 : i32
      %add3A_400 = arith.constant 15 : i32
      %add3A_401 = arith.addi %mul3A_399, %add3A_400 : i32
      %mul3A_402 = arith.constant 32 : i32
      %mul3A_403 = arith.muli %add3A_401, %mul3A_402 : i32
      %slice3A_404 = vector.extract_strided_slice %add3A_78 {offsets = [15], sizes = [1], strides = [1]} : vector<16xi32> to vector<1xi32>
      %squeeze3A_405 = vector.extract %slice3A_404[0] : i32 from vector<1xi32>
      %multiple_of3A_406 = tpu.assume_multiple %squeeze3A_405, 32 : i32
      %slice3A_407 = vector.extract_strided_slice %add3A_101 {offsets = [15], sizes = [1], strides = [1]} : vector<16xi32> to vector<1xi32>
      %squeeze3A_408 = vector.extract %slice3A_407[0] : i32 from vector<1xi32>
      %multiple_of3A_409 = tpu.assume_multiple %squeeze3A_408, 32 : i32
      %dma_start3A_410 = tpu.memref_slice %arg9[%mul3A_403] : memref<8192xi32, #tpu.memory_space<vmem>> -> memref<32xi32, #tpu.memory_space<vmem>>
      %dma_start3A_411 = tpu.memref_slice %arg2[%multiple_of3A_406] : memref<32243712xi32, #tpu.memory_space<hbm>> -> memref<32xi32, #tpu.memory_space<hbm>>
      %dma_start3A_412 = tpu.memref_slice %arg9[%mul3A_403] : memref<8192xi32, #tpu.memory_space<vmem>> -> memref<32xi32, #tpu.memory_space<vmem>>
      %dma_start3A_413 = tpu.memref_slice %arg2[%multiple_of3A_406] : memref<32243712xi32, #tpu.memory_space<hbm>> -> memref<32xi32, #tpu.memory_space<hbm>>
      tpu.enqueue_dma source(%dma_start3A_413 : memref<32xi32, #tpu.memory_space<hbm>>) target(%dma_start3A_412 : memref<32xi32, #tpu.memory_space<vmem>>) target_semaphore(%arg12 : memref<!tpu.dma_semaphore, #tpu.memory_space<semaphore_mem>>)
      %dma_start3A_414 = tpu.memref_slice %arg11[%mul3A_403] : memref<8192xi32, #tpu.memory_space<vmem>> -> memref<32xi32, #tpu.memory_space<vmem>>
      %dma_start3A_415 = tpu.memref_slice %arg4[%multiple_of3A_409] : memref<3407872xi32, #tpu.memory_space<hbm>> -> memref<32xi32, #tpu.memory_space<hbm>>
      %dma_start3A_416 = tpu.memref_slice %arg11[%mul3A_403] : memref<8192xi32, #tpu.memory_space<vmem>> -> memref<32xi32, #tpu.memory_space<vmem>>
      %dma_start3A_417 = tpu.memref_slice %arg4[%multiple_of3A_409] : memref<3407872xi32, #tpu.memory_space<hbm>> -> memref<32xi32, #tpu.memory_space<hbm>>
      tpu.enqueue_dma source(%dma_start3A_417 : memref<32xi32, #tpu.memory_space<hbm>>) target(%dma_start3A_416 : memref<32xi32, #tpu.memory_space<vmem>>) target_semaphore(%arg13 : memref<!tpu.dma_semaphore, #tpu.memory_space<semaphore_mem>>)
    }
    %scan3A_7 = arith.constant 16 : i32
    %dma_wait3A = arith.constant 0 : i32
    %dma_wait3A_8 = tpu.memref_slice %arg2[%dma_wait3A] : memref<32243712xi32, #tpu.memory_space<hbm>> -> memref<8192xi32, #tpu.memory_space<hbm>>
    %dma_wait3A_9 = arith.constant 0 : i32
    %dma_wait3A_10 = tpu.memref_slice %arg2[%dma_wait3A_9] : memref<32243712xi32, #tpu.memory_space<hbm>> -> memref<8192xi32, #tpu.memory_space<hbm>>
    tpu.wait_dma2 semaphore(%arg12 : memref<!tpu.dma_semaphore, #tpu.memory_space<semaphore_mem>>) src(%dma_wait3A_10 : memref<8192xi32, #tpu.memory_space<hbm>>) dst(%arg9 : memref<8192xi32, #tpu.memory_space<vmem>>)
    %dma_wait3A_11 = arith.constant 0 : i32
    %dma_wait3A_12 = tpu.memref_slice %arg4[%dma_wait3A_11] : memref<3407872xi32, #tpu.memory_space<hbm>> -> memref<8192xi32, #tpu.memory_space<hbm>>
    %dma_wait3A_13 = arith.constant 0 : i32
    %dma_wait3A_14 = tpu.memref_slice %arg4[%dma_wait3A_13] : memref<3407872xi32, #tpu.memory_space<hbm>> -> memref<8192xi32, #tpu.memory_space<hbm>>
    tpu.wait_dma2 semaphore(%arg13 : memref<!tpu.dma_semaphore, #tpu.memory_space<semaphore_mem>>) src(%dma_wait3A_14 : memref<8192xi32, #tpu.memory_space<hbm>>) dst(%arg11 : memref<8192xi32, #tpu.memory_space<vmem>>)
    %add3A_15 = arith.constant 0 : i32
    %add3A_16 = arith.addi %mul3A_2, %add3A_15 : i32
    %mul3A_17 = arith.constant 32 : i32
    %mul3A_18 = arith.muli %add3A_16, %mul3A_17 : i32
    "tpu.region"() ({
      %run_scoped3A = tpu.sem_alloc : memref<!tpu.dma_semaphore, #tpu.memory_space<semaphore_mem>>
      %dma_start3A = tpu.memref_slice %arg6[%mul3A_18] : memref<524288xi32, #tpu.memory_space<hbm>> -> memref<8192xi32, #tpu.memory_space<hbm>>
      %dma_start3A_45 = tpu.memref_slice %arg6[%mul3A_18] : memref<524288xi32, #tpu.memory_space<hbm>> -> memref<8192xi32, #tpu.memory_space<hbm>>
      tpu.enqueue_dma source(%arg9 : memref<8192xi32, #tpu.memory_space<vmem>>) target(%dma_start3A_45 : memref<8192xi32, #tpu.memory_space<hbm>>) target_semaphore(%run_scoped3A : memref<!tpu.dma_semaphore, #tpu.memory_space<semaphore_mem>>)
      %dma_wait3A_46 = tpu.memref_slice %arg6[%mul3A_18] : memref<524288xi32, #tpu.memory_space<hbm>> -> memref<8192xi32, #tpu.memory_space<hbm>>
      %dma_wait3A_47 = tpu.memref_slice %arg6[%mul3A_18] : memref<524288xi32, #tpu.memory_space<hbm>> -> memref<8192xi32, #tpu.memory_space<hbm>>
      tpu.wait_dma2 semaphore(%run_scoped3A : memref<!tpu.dma_semaphore, #tpu.memory_space<semaphore_mem>>) src(%arg9 : memref<8192xi32, #tpu.memory_space<vmem>>) dst(%dma_wait3A_47 : memref<8192xi32, #tpu.memory_space<hbm>>)
      tpu.yield
    }) : () -> ()
    %add3A_19 = arith.constant 0 : i32
    %add3A_20 = arith.addi %mul3A_2, %add3A_19 : i32
    %mul3A_21 = arith.constant 32 : i32
    %mul3A_22 = arith.muli %add3A_20, %mul3A_21 : i32
    "tpu.region"() ({
      %run_scoped3A = tpu.sem_alloc : memref<!tpu.dma_semaphore, #tpu.memory_space<semaphore_mem>>
      %dma_start3A = tpu.memref_slice %arg7[%mul3A_22] : memref<524288xi32, #tpu.memory_space<hbm>> -> memref<8192xi32, #tpu.memory_space<hbm>>
      %dma_start3A_45 = tpu.memref_slice %arg7[%mul3A_22] : memref<524288xi32, #tpu.memory_space<hbm>> -> memref<8192xi32, #tpu.memory_space<hbm>>
      tpu.enqueue_dma source(%arg11 : memref<8192xi32, #tpu.memory_space<vmem>>) target(%dma_start3A_45 : memref<8192xi32, #tpu.memory_space<hbm>>) target_semaphore(%run_scoped3A : memref<!tpu.dma_semaphore, #tpu.memory_space<semaphore_mem>>)
      %dma_wait3A_46 = tpu.memref_slice %arg7[%mul3A_22] : memref<524288xi32, #tpu.memory_space<hbm>> -> memref<8192xi32, #tpu.memory_space<hbm>>
      %dma_wait3A_47 = tpu.memref_slice %arg7[%mul3A_22] : memref<524288xi32, #tpu.memory_space<hbm>> -> memref<8192xi32, #tpu.memory_space<hbm>>
      tpu.wait_dma2 semaphore(%run_scoped3A : memref<!tpu.dma_semaphore, #tpu.memory_space<semaphore_mem>>) src(%arg11 : memref<8192xi32, #tpu.memory_space<vmem>>) dst(%dma_wait3A_47 : memref<8192xi32, #tpu.memory_space<hbm>>)
      tpu.yield
    }) : () -> ()
    %scan3A_23 = arith.constant 0 : i32
    %scan3A_24 = arith.constant 0 : i32
    %scan3A_25 = arith.constant 16 : i32
    %scan3A_26 = arith.addi %scan3A_24, %scan3A_25 : i32
    %scan3A_27 = arith.constant 1 : i32
    scf.for %scan3A_45 = %scan3A_24 to %scan3A_26 step %scan3A_27  : i32 {
      %mul3A_46 = arith.constant 16 : i32
      %mul3A_47 = arith.muli %scan3A_45, %mul3A_46 : i32
      %add3A_48 = arith.constant 256 : i32
      %add3A_49 = arith.addi %add3A_48, %mul3A_47 : i32
      %get3A = arith.index_cast %add3A_49 : i32 to index
      %get3A_50 = tpu.vector_load %arg8[%get3A] {strides = array<i32>} : memref<512xi32, #tpu.memory_space<vmem>>, vector<16xi32>,
      %get3A_51 = vector.shape_cast %get3A_50 : vector<16xi32> to vector<16xi32>
      %mul3A_52 = arith.constant 16 : i32
      %mul3A_53 = arith.muli %scan3A_45, %mul3A_52 : i32
      %add3A_54 = arith.constant 256 : i32
      %add3A_55 = arith.addi %add3A_54, %mul3A_53 : i32
      %get3A_56 = arith.index_cast %add3A_55 : i32 to index
      %get3A_57 = tpu.vector_load %arg10[%get3A_56] {strides = array<i32>} : memref<512xi32, #tpu.memory_space<vmem>>, vector<16xi32>,
      %get3A_58 = vector.shape_cast %get3A_57 : vector<16xi32> to vector<16xi32>
      %shift_right_arithmetic3A = arith.constant 13 : i32
      %shift_right_arithmetic3A_59 = vector.broadcast %shift_right_arithmetic3A : i32 to vector<16xi32>
      %shift_right_arithmetic3A_60 = arith.shrsi %get3A_51, %shift_right_arithmetic3A_59 : vector<16xi32>
      %shift_left3A = arith.constant 18 : i32
      %shift_left3A_61 = vector.broadcast %shift_left3A : i32 to vector<16xi32>
      %shift_left3A_62 = arith.shli %shift_right_arithmetic3A_60, %shift_left3A_61 : vector<16xi32>
      %and3A = arith.constant 2047 : i32
      %and3A_63 = vector.broadcast %and3A : i32 to vector<16xi32>
      %and3A_64 = arith.andi %get3A_51, %and3A_63 : vector<16xi32>
      %shift_left3A_65 = arith.constant 7 : i32
      %shift_left3A_66 = vector.broadcast %shift_left3A_65 : i32 to vector<16xi32>
      %shift_left3A_67 = arith.shli %and3A_64, %shift_left3A_66 : vector<16xi32>
      %add3A_68 = arith.addi %shift_left3A_62, %shift_left3A_67 : vector<16xi32>
      %shift_right_arithmetic3A_69 = arith.constant 11 : i32
      %shift_right_arithmetic3A_70 = vector.broadcast %shift_right_arithmetic3A_69 : i32 to vector<16xi32>
      %shift_right_arithmetic3A_71 = arith.shrsi %get3A_51, %shift_right_arithmetic3A_70 : vector<16xi32>
      %and3A_72 = arith.constant 3 : i32
      %and3A_73 = vector.broadcast %and3A_72 : i32 to vector<16xi32>
      %and3A_74 = arith.andi %shift_right_arithmetic3A_71, %and3A_73 : vector<16xi32>
      %shift_left3A_75 = arith.constant 5 : i32
      %shift_left3A_76 = vector.broadcast %shift_left3A_75 : i32 to vector<16xi32>
      %shift_left3A_77 = arith.shli %and3A_74, %shift_left3A_76 : vector<16xi32>
      %add3A_78 = arith.addi %add3A_68, %shift_left3A_77 : vector<16xi32>
      %shift_right_arithmetic3A_79 = arith.constant 13 : i32
      %shift_right_arithmetic3A_80 = vector.broadcast %shift_right_arithmetic3A_79 : i32 to vector<16xi32>
      %shift_right_arithmetic3A_81 = arith.shrsi %get3A_58, %shift_right_arithmetic3A_80 : vector<16xi32>
      %shift_left3A_82 = arith.constant 18 : i32
      %shift_left3A_83 = vector.broadcast %shift_left3A_82 : i32 to vector<16xi32>
      %shift_left3A_84 = arith.shli %shift_right_arithmetic3A_81, %shift_left3A_83 : vector<16xi32>
      %and3A_85 = arith.constant 2047 : i32
      %and3A_86 = vector.broadcast %and3A_85 : i32 to vector<16xi32>
      %and3A_87 = arith.andi %get3A_58, %and3A_86 : vector<16xi32>
      %shift_left3A_88 = arith.constant 7 : i32
      %shift_left3A_89 = vector.broadcast %shift_left3A_88 : i32 to vector<16xi32>
      %shift_left3A_90 = arith.shli %and3A_87, %shift_left3A_89 : vector<16xi32>
      %add3A_91 = arith.addi %shift_left3A_84, %shift_left3A_90 : vector<16xi32>
      %shift_right_arithmetic3A_92 = arith.constant 11 : i32
      %shift_right_arithmetic3A_93 = vector.broadcast %shift_right_arithmetic3A_92 : i32 to vector<16xi32>
      %shift_right_arithmetic3A_94 = arith.shrsi %get3A_58, %shift_right_arithmetic3A_93 : vector<16xi32>
      %and3A_95 = arith.constant 3 : i32
      %and3A_96 = vector.broadcast %and3A_95 : i32 to vector<16xi32>
      %and3A_97 = arith.andi %shift_right_arithmetic3A_94, %and3A_96 : vector<16xi32>
      %shift_left3A_98 = arith.constant 5 : i32
      %shift_left3A_99 = vector.broadcast %shift_left3A_98 : i32 to vector<16xi32>
      %shift_left3A_100 = arith.shli %and3A_97, %shift_left3A_99 : vector<16xi32>
      %add3A_101 = arith.addi %add3A_91, %shift_left3A_100 : vector<16xi32>
      %mul3A_102 = arith.constant 16 : i32
      %mul3A_103 = arith.muli %scan3A_45, %mul3A_102 : i32
      %add3A_104 = arith.constant 0 : i32
      %add3A_105 = arith.addi %mul3A_103, %add3A_104 : i32
      %mul3A_106 = arith.constant 32 : i32
      %mul3A_107 = arith.muli %add3A_105, %mul3A_106 : i32
      %slice3A = vector.extract_strided_slice %add3A_78 {offsets = [0], sizes = [1], strides = [1]} : vector<16xi32> to vector<1xi32>
      %squeeze3A = vector.extract %slice3A[0] : i32 from vector<1xi32>
      %multiple_of3A = tpu.assume_multiple %squeeze3A, 32 : i32
      %slice3A_108 = vector.extract_strided_slice %add3A_101 {offsets = [0], sizes = [1], strides = [1]} : vector<16xi32> to vector<1xi32>
      %squeeze3A_109 = vector.extract %slice3A_108[0] : i32 from vector<1xi32>
      %multiple_of3A_110 = tpu.assume_multiple %squeeze3A_109, 32 : i32
      %dma_start3A = tpu.memref_slice %arg9[%mul3A_107] : memref<8192xi32, #tpu.memory_space<vmem>> -> memref<32xi32, #tpu.memory_space<vmem>>
      %dma_start3A_111 = tpu.memref_slice %arg2[%multiple_of3A] : memref<32243712xi32, #tpu.memory_space<hbm>> -> memref<32xi32, #tpu.memory_space<hbm>>
      %dma_start3A_112 = tpu.memref_slice %arg9[%mul3A_107] : memref<8192xi32, #tpu.memory_space<vmem>> -> memref<32xi32, #tpu.memory_space<vmem>>
      %dma_start3A_113 = tpu.memref_slice %arg2[%multiple_of3A] : memref<32243712xi32, #tpu.memory_space<hbm>> -> memref<32xi32, #tpu.memory_space<hbm>>
      tpu.enqueue_dma source(%dma_start3A_113 : memref<32xi32, #tpu.memory_space<hbm>>) target(%dma_start3A_112 : memref<32xi32, #tpu.memory_space<vmem>>) target_semaphore(%arg12 : memref<!tpu.dma_semaphore, #tpu.memory_space<semaphore_mem>>)
      %dma_start3A_114 = tpu.memref_slice %arg11[%mul3A_107] : memref<8192xi32, #tpu.memory_space<vmem>> -> memref<32xi32, #tpu.memory_space<vmem>>
      %dma_start3A_115 = tpu.memref_slice %arg4[%multiple_of3A_110] : memref<3407872xi32, #tpu.memory_space<hbm>> -> memref<32xi32, #tpu.memory_space<hbm>>
      %dma_start3A_116 = tpu.memref_slice %arg11[%mul3A_107] : memref<8192xi32, #tpu.memory_space<vmem>> -> memref<32xi32, #tpu.memory_space<vmem>>
      %dma_start3A_117 = tpu.memref_slice %arg4[%multiple_of3A_110] : memref<3407872xi32, #tpu.memory_space<hbm>> -> memref<32xi32, #tpu.memory_space<hbm>>
      tpu.enqueue_dma source(%dma_start3A_117 : memref<32xi32, #tpu.memory_space<hbm>>) target(%dma_start3A_116 : memref<32xi32, #tpu.memory_space<vmem>>) target_semaphore(%arg13 : memref<!tpu.dma_semaphore, #tpu.memory_space<semaphore_mem>>)
      %mul3A_118 = arith.constant 16 : i32
      %mul3A_119 = arith.muli %scan3A_45, %mul3A_118 : i32
      %add3A_120 = arith.constant 1 : i32
      %add3A_121 = arith.addi %mul3A_119, %add3A_120 : i32
      %mul3A_122 = arith.constant 32 : i32
      %mul3A_123 = arith.muli %add3A_121, %mul3A_122 : i32
      %slice3A_124 = vector.extract_strided_slice %add3A_78 {offsets = [1], sizes = [1], strides = [1]} : vector<16xi32> to vector<1xi32>
      %squeeze3A_125 = vector.extract %slice3A_124[0] : i32 from vector<1xi32>
      %multiple_of3A_126 = tpu.assume_multiple %squeeze3A_125, 32 : i32
      %slice3A_127 = vector.extract_strided_slice %add3A_101 {offsets = [1], sizes = [1], strides = [1]} : vector<16xi32> to vector<1xi32>
      %squeeze3A_128 = vector.extract %slice3A_127[0] : i32 from vector<1xi32>
      %multiple_of3A_129 = tpu.assume_multiple %squeeze3A_128, 32 : i32
      %dma_start3A_130 = tpu.memref_slice %arg9[%mul3A_123] : memref<8192xi32, #tpu.memory_space<vmem>> -> memref<32xi32, #tpu.memory_space<vmem>>
      %dma_start3A_131 = tpu.memref_slice %arg2[%multiple_of3A_126] : memref<32243712xi32, #tpu.memory_space<hbm>> -> memref<32xi32, #tpu.memory_space<hbm>>
      %dma_start3A_132 = tpu.memref_slice %arg9[%mul3A_123] : memref<8192xi32, #tpu.memory_space<vmem>> -> memref<32xi32, #tpu.memory_space<vmem>>
      %dma_start3A_133 = tpu.memref_slice %arg2[%multiple_of3A_126] : memref<32243712xi32, #tpu.memory_space<hbm>> -> memref<32xi32, #tpu.memory_space<hbm>>
      tpu.enqueue_dma source(%dma_start3A_133 : memref<32xi32, #tpu.memory_space<hbm>>) target(%dma_start3A_132 : memref<32xi32, #tpu.memory_space<vmem>>) target_semaphore(%arg12 : memref<!tpu.dma_semaphore, #tpu.memory_space<semaphore_mem>>)
      %dma_start3A_134 = tpu.memref_slice %arg11[%mul3A_123] : memref<8192xi32, #tpu.memory_space<vmem>> -> memref<32xi32, #tpu.memory_space<vmem>>
      %dma_start3A_135 = tpu.memref_slice %arg4[%multiple_of3A_129] : memref<3407872xi32, #tpu.memory_space<hbm>> -> memref<32xi32, #tpu.memory_space<hbm>>
      %dma_start3A_136 = tpu.memref_slice %arg11[%mul3A_123] : memref<8192xi32, #tpu.memory_space<vmem>> -> memref<32xi32, #tpu.memory_space<vmem>>
      %dma_start3A_137 = tpu.memref_slice %arg4[%multiple_of3A_129] : memref<3407872xi32, #tpu.memory_space<hbm>> -> memref<32xi32, #tpu.memory_space<hbm>>
      tpu.enqueue_dma source(%dma_start3A_137 : memref<32xi32, #tpu.memory_space<hbm>>) target(%dma_start3A_136 : memref<32xi32, #tpu.memory_space<vmem>>) target_semaphore(%arg13 : memref<!tpu.dma_semaphore, #tpu.memory_space<semaphore_mem>>)
      %mul3A_138 = arith.constant 16 : i32
      %mul3A_139 = arith.muli %scan3A_45, %mul3A_138 : i32
      %add3A_140 = arith.constant 2 : i32
      %add3A_141 = arith.addi %mul3A_139, %add3A_140 : i32
      %mul3A_142 = arith.constant 32 : i32
      %mul3A_143 = arith.muli %add3A_141, %mul3A_142 : i32
      %slice3A_144 = vector.extract_strided_slice %add3A_78 {offsets = [2], sizes = [1], strides = [1]} : vector<16xi32> to vector<1xi32>
      %squeeze3A_145 = vector.extract %slice3A_144[0] : i32 from vector<1xi32>
      %multiple_of3A_146 = tpu.assume_multiple %squeeze3A_145, 32 : i32
      %slice3A_147 = vector.extract_strided_slice %add3A_101 {offsets = [2], sizes = [1], strides = [1]} : vector<16xi32> to vector<1xi32>
      %squeeze3A_148 = vector.extract %slice3A_147[0] : i32 from vector<1xi32>
      %multiple_of3A_149 = tpu.assume_multiple %squeeze3A_148, 32 : i32
      %dma_start3A_150 = tpu.memref_slice %arg9[%mul3A_143] : memref<8192xi32, #tpu.memory_space<vmem>> -> memref<32xi32, #tpu.memory_space<vmem>>
      %dma_start3A_151 = tpu.memref_slice %arg2[%multiple_of3A_146] : memref<32243712xi32, #tpu.memory_space<hbm>> -> memref<32xi32, #tpu.memory_space<hbm>>
      %dma_start3A_152 = tpu.memref_slice %arg9[%mul3A_143] : memref<8192xi32, #tpu.memory_space<vmem>> -> memref<32xi32, #tpu.memory_space<vmem>>
      %dma_start3A_153 = tpu.memref_slice %arg2[%multiple_of3A_146] : memref<32243712xi32, #tpu.memory_space<hbm>> -> memref<32xi32, #tpu.memory_space<hbm>>
      tpu.enqueue_dma source(%dma_start3A_153 : memref<32xi32, #tpu.memory_space<hbm>>) target(%dma_start3A_152 : memref<32xi32, #tpu.memory_space<vmem>>) target_semaphore(%arg12 : memref<!tpu.dma_semaphore, #tpu.memory_space<semaphore_mem>>)
      %dma_start3A_154 = tpu.memref_slice %arg11[%mul3A_143] : memref<8192xi32, #tpu.memory_space<vmem>> -> memref<32xi32, #tpu.memory_space<vmem>>
      %dma_start3A_155 = tpu.memref_slice %arg4[%multiple_of3A_149] : memref<3407872xi32, #tpu.memory_space<hbm>> -> memref<32xi32, #tpu.memory_space<hbm>>
      %dma_start3A_156 = tpu.memref_slice %arg11[%mul3A_143] : memref<8192xi32, #tpu.memory_space<vmem>> -> memref<32xi32, #tpu.memory_space<vmem>>
      %dma_start3A_157 = tpu.memref_slice %arg4[%multiple_of3A_149] : memref<3407872xi32, #tpu.memory_space<hbm>> -> memref<32xi32, #tpu.memory_space<hbm>>
      tpu.enqueue_dma source(%dma_start3A_157 : memref<32xi32, #tpu.memory_space<hbm>>) target(%dma_start3A_156 : memref<32xi32, #tpu.memory_space<vmem>>) target_semaphore(%arg13 : memref<!tpu.dma_semaphore, #tpu.memory_space<semaphore_mem>>)
      %mul3A_158 = arith.constant 16 : i32
      %mul3A_159 = arith.muli %scan3A_45, %mul3A_158 : i32
      %add3A_160 = arith.constant 3 : i32
      %add3A_161 = arith.addi %mul3A_159, %add3A_160 : i32
      %mul3A_162 = arith.constant 32 : i32
      %mul3A_163 = arith.muli %add3A_161, %mul3A_162 : i32
      %slice3A_164 = vector.extract_strided_slice %add3A_78 {offsets = [3], sizes = [1], strides = [1]} : vector<16xi32> to vector<1xi32>
      %squeeze3A_165 = vector.extract %slice3A_164[0] : i32 from vector<1xi32>
      %multiple_of3A_166 = tpu.assume_multiple %squeeze3A_165, 32 : i32
      %slice3A_167 = vector.extract_strided_slice %add3A_101 {offsets = [3], sizes = [1], strides = [1]} : vector<16xi32> to vector<1xi32>
      %squeeze3A_168 = vector.extract %slice3A_167[0] : i32 from vector<1xi32>
      %multiple_of3A_169 = tpu.assume_multiple %squeeze3A_168, 32 : i32
      %dma_start3A_170 = tpu.memref_slice %arg9[%mul3A_163] : memref<8192xi32, #tpu.memory_space<vmem>> -> memref<32xi32, #tpu.memory_space<vmem>>
      %dma_start3A_171 = tpu.memref_slice %arg2[%multiple_of3A_166] : memref<32243712xi32, #tpu.memory_space<hbm>> -> memref<32xi32, #tpu.memory_space<hbm>>
      %dma_start3A_172 = tpu.memref_slice %arg9[%mul3A_163] : memref<8192xi32, #tpu.memory_space<vmem>> -> memref<32xi32, #tpu.memory_space<vmem>>
      %dma_start3A_173 = tpu.memref_slice %arg2[%multiple_of3A_166] : memref<32243712xi32, #tpu.memory_space<hbm>> -> memref<32xi32, #tpu.memory_space<hbm>>
      tpu.enqueue_dma source(%dma_start3A_173 : memref<32xi32, #tpu.memory_space<hbm>>) target(%dma_start3A_172 : memref<32xi32, #tpu.memory_space<vmem>>) target_semaphore(%arg12 : memref<!tpu.dma_semaphore, #tpu.memory_space<semaphore_mem>>)
      %dma_start3A_174 = tpu.memref_slice %arg11[%mul3A_163] : memref<8192xi32, #tpu.memory_space<vmem>> -> memref<32xi32, #tpu.memory_space<vmem>>
      %dma_start3A_175 = tpu.memref_slice %arg4[%multiple_of3A_169] : memref<3407872xi32, #tpu.memory_space<hbm>> -> memref<32xi32, #tpu.memory_space<hbm>>
      %dma_start3A_176 = tpu.memref_slice %arg11[%mul3A_163] : memref<8192xi32, #tpu.memory_space<vmem>> -> memref<32xi32, #tpu.memory_space<vmem>>
      %dma_start3A_177 = tpu.memref_slice %arg4[%multiple_of3A_169] : memref<3407872xi32, #tpu.memory_space<hbm>> -> memref<32xi32, #tpu.memory_space<hbm>>
      tpu.enqueue_dma source(%dma_start3A_177 : memref<32xi32, #tpu.memory_space<hbm>>) target(%dma_start3A_176 : memref<32xi32, #tpu.memory_space<vmem>>) target_semaphore(%arg13 : memref<!tpu.dma_semaphore, #tpu.memory_space<semaphore_mem>>)
      %mul3A_178 = arith.constant 16 : i32
      %mul3A_179 = arith.muli %scan3A_45, %mul3A_178 : i32
      %add3A_180 = arith.constant 4 : i32
      %add3A_181 = arith.addi %mul3A_179, %add3A_180 : i32
      %mul3A_182 = arith.constant 32 : i32
      %mul3A_183 = arith.muli %add3A_181, %mul3A_182 : i32
      %slice3A_184 = vector.extract_strided_slice %add3A_78 {offsets = [4], sizes = [1], strides = [1]} : vector<16xi32> to vector<1xi32>
      %squeeze3A_185 = vector.extract %slice3A_184[0] : i32 from vector<1xi32>
      %multiple_of3A_186 = tpu.assume_multiple %squeeze3A_185, 32 : i32
      %slice3A_187 = vector.extract_strided_slice %add3A_101 {offsets = [4], sizes = [1], strides = [1]} : vector<16xi32> to vector<1xi32>
      %squeeze3A_188 = vector.extract %slice3A_187[0] : i32 from vector<1xi32>
      %multiple_of3A_189 = tpu.assume_multiple %squeeze3A_188, 32 : i32
      %dma_start3A_190 = tpu.memref_slice %arg9[%mul3A_183] : memref<8192xi32, #tpu.memory_space<vmem>> -> memref<32xi32, #tpu.memory_space<vmem>>
      %dma_start3A_191 = tpu.memref_slice %arg2[%multiple_of3A_186] : memref<32243712xi32, #tpu.memory_space<hbm>> -> memref<32xi32, #tpu.memory_space<hbm>>
      %dma_start3A_192 = tpu.memref_slice %arg9[%mul3A_183] : memref<8192xi32, #tpu.memory_space<vmem>> -> memref<32xi32, #tpu.memory_space<vmem>>
      %dma_start3A_193 = tpu.memref_slice %arg2[%multiple_of3A_186] : memref<32243712xi32, #tpu.memory_space<hbm>> -> memref<32xi32, #tpu.memory_space<hbm>>
      tpu.enqueue_dma source(%dma_start3A_193 : memref<32xi32, #tpu.memory_space<hbm>>) target(%dma_start3A_192 : memref<32xi32, #tpu.memory_space<vmem>>) target_semaphore(%arg12 : memref<!tpu.dma_semaphore, #tpu.memory_space<semaphore_mem>>)
      %dma_start3A_194 = tpu.memref_slice %arg11[%mul3A_183] : memref<8192xi32, #tpu.memory_space<vmem>> -> memref<32xi32, #tpu.memory_space<vmem>>
      %dma_start3A_195 = tpu.memref_slice %arg4[%multiple_of3A_189] : memref<3407872xi32, #tpu.memory_space<hbm>> -> memref<32xi32, #tpu.memory_space<hbm>>
      %dma_start3A_196 = tpu.memref_slice %arg11[%mul3A_183] : memref<8192xi32, #tpu.memory_space<vmem>> -> memref<32xi32, #tpu.memory_space<vmem>>
      %dma_start3A_197 = tpu.memref_slice %arg4[%multiple_of3A_189] : memref<3407872xi32, #tpu.memory_space<hbm>> -> memref<32xi32, #tpu.memory_space<hbm>>
      tpu.enqueue_dma source(%dma_start3A_197 : memref<32xi32, #tpu.memory_space<hbm>>) target(%dma_start3A_196 : memref<32xi32, #tpu.memory_space<vmem>>) target_semaphore(%arg13 : memref<!tpu.dma_semaphore, #tpu.memory_space<semaphore_mem>>)
      %mul3A_198 = arith.constant 16 : i32
      %mul3A_199 = arith.muli %scan3A_45, %mul3A_198 : i32
      %add3A_200 = arith.constant 5 : i32
      %add3A_201 = arith.addi %mul3A_199, %add3A_200 : i32
      %mul3A_202 = arith.constant 32 : i32
      %mul3A_203 = arith.muli %add3A_201, %mul3A_202 : i32
      %slice3A_204 = vector.extract_strided_slice %add3A_78 {offsets = [5], sizes = [1], strides = [1]} : vector<16xi32> to vector<1xi32>
      %squeeze3A_205 = vector.extract %slice3A_204[0] : i32 from vector<1xi32>
      %multiple_of3A_206 = tpu.assume_multiple %squeeze3A_205, 32 : i32
      %slice3A_207 = vector.extract_strided_slice %add3A_101 {offsets = [5], sizes = [1], strides = [1]} : vector<16xi32> to vector<1xi32>
      %squeeze3A_208 = vector.extract %slice3A_207[0] : i32 from vector<1xi32>
      %multiple_of3A_209 = tpu.assume_multiple %squeeze3A_208, 32 : i32
      %dma_start3A_210 = tpu.memref_slice %arg9[%mul3A_203] : memref<8192xi32, #tpu.memory_space<vmem>> -> memref<32xi32, #tpu.memory_space<vmem>>
      %dma_start3A_211 = tpu.memref_slice %arg2[%multiple_of3A_206] : memref<32243712xi32, #tpu.memory_space<hbm>> -> memref<32xi32, #tpu.memory_space<hbm>>
      %dma_start3A_212 = tpu.memref_slice %arg9[%mul3A_203] : memref<8192xi32, #tpu.memory_space<vmem>> -> memref<32xi32, #tpu.memory_space<vmem>>
      %dma_start3A_213 = tpu.memref_slice %arg2[%multiple_of3A_206] : memref<32243712xi32, #tpu.memory_space<hbm>> -> memref<32xi32, #tpu.memory_space<hbm>>
      tpu.enqueue_dma source(%dma_start3A_213 : memref<32xi32, #tpu.memory_space<hbm>>) target(%dma_start3A_212 : memref<32xi32, #tpu.memory_space<vmem>>) target_semaphore(%arg12 : memref<!tpu.dma_semaphore, #tpu.memory_space<semaphore_mem>>)
      %dma_start3A_214 = tpu.memref_slice %arg11[%mul3A_203] : memref<8192xi32, #tpu.memory_space<vmem>> -> memref<32xi32, #tpu.memory_space<vmem>>
      %dma_start3A_215 = tpu.memref_slice %arg4[%multiple_of3A_209] : memref<3407872xi32, #tpu.memory_space<hbm>> -> memref<32xi32, #tpu.memory_space<hbm>>
      %dma_start3A_216 = tpu.memref_slice %arg11[%mul3A_203] : memref<8192xi32, #tpu.memory_space<vmem>> -> memref<32xi32, #tpu.memory_space<vmem>>
      %dma_start3A_217 = tpu.memref_slice %arg4[%multiple_of3A_209] : memref<3407872xi32, #tpu.memory_space<hbm>> -> memref<32xi32, #tpu.memory_space<hbm>>
      tpu.enqueue_dma source(%dma_start3A_217 : memref<32xi32, #tpu.memory_space<hbm>>) target(%dma_start3A_216 : memref<32xi32, #tpu.memory_space<vmem>>) target_semaphore(%arg13 : memref<!tpu.dma_semaphore, #tpu.memory_space<semaphore_mem>>)
      %mul3A_218 = arith.constant 16 : i32
      %mul3A_219 = arith.muli %scan3A_45, %mul3A_218 : i32
      %add3A_220 = arith.constant 6 : i32
      %add3A_221 = arith.addi %mul3A_219, %add3A_220 : i32
      %mul3A_222 = arith.constant 32 : i32
      %mul3A_223 = arith.muli %add3A_221, %mul3A_222 : i32
      %slice3A_224 = vector.extract_strided_slice %add3A_78 {offsets = [6], sizes = [1], strides = [1]} : vector<16xi32> to vector<1xi32>
      %squeeze3A_225 = vector.extract %slice3A_224[0] : i32 from vector<1xi32>
      %multiple_of3A_226 = tpu.assume_multiple %squeeze3A_225, 32 : i32
      %slice3A_227 = vector.extract_strided_slice %add3A_101 {offsets = [6], sizes = [1], strides = [1]} : vector<16xi32> to vector<1xi32>
      %squeeze3A_228 = vector.extract %slice3A_227[0] : i32 from vector<1xi32>
      %multiple_of3A_229 = tpu.assume_multiple %squeeze3A_228, 32 : i32
      %dma_start3A_230 = tpu.memref_slice %arg9[%mul3A_223] : memref<8192xi32, #tpu.memory_space<vmem>> -> memref<32xi32, #tpu.memory_space<vmem>>
      %dma_start3A_231 = tpu.memref_slice %arg2[%multiple_of3A_226] : memref<32243712xi32, #tpu.memory_space<hbm>> -> memref<32xi32, #tpu.memory_space<hbm>>
      %dma_start3A_232 = tpu.memref_slice %arg9[%mul3A_223] : memref<8192xi32, #tpu.memory_space<vmem>> -> memref<32xi32, #tpu.memory_space<vmem>>
      %dma_start3A_233 = tpu.memref_slice %arg2[%multiple_of3A_226] : memref<32243712xi32, #tpu.memory_space<hbm>> -> memref<32xi32, #tpu.memory_space<hbm>>
      tpu.enqueue_dma source(%dma_start3A_233 : memref<32xi32, #tpu.memory_space<hbm>>) target(%dma_start3A_232 : memref<32xi32, #tpu.memory_space<vmem>>) target_semaphore(%arg12 : memref<!tpu.dma_semaphore, #tpu.memory_space<semaphore_mem>>)
      %dma_start3A_234 = tpu.memref_slice %arg11[%mul3A_223] : memref<8192xi32, #tpu.memory_space<vmem>> -> memref<32xi32, #tpu.memory_space<vmem>>
      %dma_start3A_235 = tpu.memref_slice %arg4[%multiple_of3A_229] : memref<3407872xi32, #tpu.memory_space<hbm>> -> memref<32xi32, #tpu.memory_space<hbm>>
      %dma_start3A_236 = tpu.memref_slice %arg11[%mul3A_223] : memref<8192xi32, #tpu.memory_space<vmem>> -> memref<32xi32, #tpu.memory_space<vmem>>
      %dma_start3A_237 = tpu.memref_slice %arg4[%multiple_of3A_229] : memref<3407872xi32, #tpu.memory_space<hbm>> -> memref<32xi32, #tpu.memory_space<hbm>>
      tpu.enqueue_dma source(%dma_start3A_237 : memref<32xi32, #tpu.memory_space<hbm>>) target(%dma_start3A_236 : memref<32xi32, #tpu.memory_space<vmem>>) target_semaphore(%arg13 : memref<!tpu.dma_semaphore, #tpu.memory_space<semaphore_mem>>)
      %mul3A_238 = arith.constant 16 : i32
      %mul3A_239 = arith.muli %scan3A_45, %mul3A_238 : i32
      %add3A_240 = arith.constant 7 : i32
      %add3A_241 = arith.addi %mul3A_239, %add3A_240 : i32
      %mul3A_242 = arith.constant 32 : i32
      %mul3A_243 = arith.muli %add3A_241, %mul3A_242 : i32
      %slice3A_244 = vector.extract_strided_slice %add3A_78 {offsets = [7], sizes = [1], strides = [1]} : vector<16xi32> to vector<1xi32>
      %squeeze3A_245 = vector.extract %slice3A_244[0] : i32 from vector<1xi32>
      %multiple_of3A_246 = tpu.assume_multiple %squeeze3A_245, 32 : i32
      %slice3A_247 = vector.extract_strided_slice %add3A_101 {offsets = [7], sizes = [1], strides = [1]} : vector<16xi32> to vector<1xi32>
      %squeeze3A_248 = vector.extract %slice3A_247[0] : i32 from vector<1xi32>
      %multiple_of3A_249 = tpu.assume_multiple %squeeze3A_248, 32 : i32
      %dma_start3A_250 = tpu.memref_slice %arg9[%mul3A_243] : memref<8192xi32, #tpu.memory_space<vmem>> -> memref<32xi32, #tpu.memory_space<vmem>>
      %dma_start3A_251 = tpu.memref_slice %arg2[%multiple_of3A_246] : memref<32243712xi32, #tpu.memory_space<hbm>> -> memref<32xi32, #tpu.memory_space<hbm>>
      %dma_start3A_252 = tpu.memref_slice %arg9[%mul3A_243] : memref<8192xi32, #tpu.memory_space<vmem>> -> memref<32xi32, #tpu.memory_space<vmem>>
      %dma_start3A_253 = tpu.memref_slice %arg2[%multiple_of3A_246] : memref<32243712xi32, #tpu.memory_space<hbm>> -> memref<32xi32, #tpu.memory_space<hbm>>
      tpu.enqueue_dma source(%dma_start3A_253 : memref<32xi32, #tpu.memory_space<hbm>>) target(%dma_start3A_252 : memref<32xi32, #tpu.memory_space<vmem>>) target_semaphore(%arg12 : memref<!tpu.dma_semaphore, #tpu.memory_space<semaphore_mem>>)
      %dma_start3A_254 = tpu.memref_slice %arg11[%mul3A_243] : memref<8192xi32, #tpu.memory_space<vmem>> -> memref<32xi32, #tpu.memory_space<vmem>>
      %dma_start3A_255 = tpu.memref_slice %arg4[%multiple_of3A_249] : memref<3407872xi32, #tpu.memory_space<hbm>> -> memref<32xi32, #tpu.memory_space<hbm>>
      %dma_start3A_256 = tpu.memref_slice %arg11[%mul3A_243] : memref<8192xi32, #tpu.memory_space<vmem>> -> memref<32xi32, #tpu.memory_space<vmem>>
      %dma_start3A_257 = tpu.memref_slice %arg4[%multiple_of3A_249] : memref<3407872xi32, #tpu.memory_space<hbm>> -> memref<32xi32, #tpu.memory_space<hbm>>
      tpu.enqueue_dma source(%dma_start3A_257 : memref<32xi32, #tpu.memory_space<hbm>>) target(%dma_start3A_256 : memref<32xi32, #tpu.memory_space<vmem>>) target_semaphore(%arg13 : memref<!tpu.dma_semaphore, #tpu.memory_space<semaphore_mem>>)
      %mul3A_258 = arith.constant 16 : i32
      %mul3A_259 = arith.muli %scan3A_45, %mul3A_258 : i32
      %add3A_260 = arith.constant 8 : i32
      %add3A_261 = arith.addi %mul3A_259, %add3A_260 : i32
      %mul3A_262 = arith.constant 32 : i32
      %mul3A_263 = arith.muli %add3A_261, %mul3A_262 : i32
      %slice3A_264 = vector.extract_strided_slice %add3A_78 {offsets = [8], sizes = [1], strides = [1]} : vector<16xi32> to vector<1xi32>
      %squeeze3A_265 = vector.extract %slice3A_264[0] : i32 from vector<1xi32>
      %multiple_of3A_266 = tpu.assume_multiple %squeeze3A_265, 32 : i32
      %slice3A_267 = vector.extract_strided_slice %add3A_101 {offsets = [8], sizes = [1], strides = [1]} : vector<16xi32> to vector<1xi32>
      %squeeze3A_268 = vector.extract %slice3A_267[0] : i32 from vector<1xi32>
      %multiple_of3A_269 = tpu.assume_multiple %squeeze3A_268, 32 : i32
      %dma_start3A_270 = tpu.memref_slice %arg9[%mul3A_263] : memref<8192xi32, #tpu.memory_space<vmem>> -> memref<32xi32, #tpu.memory_space<vmem>>
      %dma_start3A_271 = tpu.memref_slice %arg2[%multiple_of3A_266] : memref<32243712xi32, #tpu.memory_space<hbm>> -> memref<32xi32, #tpu.memory_space<hbm>>
      %dma_start3A_272 = tpu.memref_slice %arg9[%mul3A_263] : memref<8192xi32, #tpu.memory_space<vmem>> -> memref<32xi32, #tpu.memory_space<vmem>>
      %dma_start3A_273 = tpu.memref_slice %arg2[%multiple_of3A_266] : memref<32243712xi32, #tpu.memory_space<hbm>> -> memref<32xi32, #tpu.memory_space<hbm>>
      tpu.enqueue_dma source(%dma_start3A_273 : memref<32xi32, #tpu.memory_space<hbm>>) target(%dma_start3A_272 : memref<32xi32, #tpu.memory_space<vmem>>) target_semaphore(%arg12 : memref<!tpu.dma_semaphore, #tpu.memory_space<semaphore_mem>>)
      %dma_start3A_274 = tpu.memref_slice %arg11[%mul3A_263] : memref<8192xi32, #tpu.memory_space<vmem>> -> memref<32xi32, #tpu.memory_space<vmem>>
      %dma_start3A_275 = tpu.memref_slice %arg4[%multiple_of3A_269] : memref<3407872xi32, #tpu.memory_space<hbm>> -> memref<32xi32, #tpu.memory_space<hbm>>
      %dma_start3A_276 = tpu.memref_slice %arg11[%mul3A_263] : memref<8192xi32, #tpu.memory_space<vmem>> -> memref<32xi32, #tpu.memory_space<vmem>>
      %dma_start3A_277 = tpu.memref_slice %arg4[%multiple_of3A_269] : memref<3407872xi32, #tpu.memory_space<hbm>> -> memref<32xi32, #tpu.memory_space<hbm>>
      tpu.enqueue_dma source(%dma_start3A_277 : memref<32xi32, #tpu.memory_space<hbm>>) target(%dma_start3A_276 : memref<32xi32, #tpu.memory_space<vmem>>) target_semaphore(%arg13 : memref<!tpu.dma_semaphore, #tpu.memory_space<semaphore_mem>>)
      %mul3A_278 = arith.constant 16 : i32
      %mul3A_279 = arith.muli %scan3A_45, %mul3A_278 : i32
      %add3A_280 = arith.constant 9 : i32
      %add3A_281 = arith.addi %mul3A_279, %add3A_280 : i32
      %mul3A_282 = arith.constant 32 : i32
      %mul3A_283 = arith.muli %add3A_281, %mul3A_282 : i32
      %slice3A_284 = vector.extract_strided_slice %add3A_78 {offsets = [9], sizes = [1], strides = [1]} : vector<16xi32> to vector<1xi32>
      %squeeze3A_285 = vector.extract %slice3A_284[0] : i32 from vector<1xi32>
      %multiple_of3A_286 = tpu.assume_multiple %squeeze3A_285, 32 : i32
      %slice3A_287 = vector.extract_strided_slice %add3A_101 {offsets = [9], sizes = [1], strides = [1]} : vector<16xi32> to vector<1xi32>
      %squeeze3A_288 = vector.extract %slice3A_287[0] : i32 from vector<1xi32>
      %multiple_of3A_289 = tpu.assume_multiple %squeeze3A_288, 32 : i32
      %dma_start3A_290 = tpu.memref_slice %arg9[%mul3A_283] : memref<8192xi32, #tpu.memory_space<vmem>> -> memref<32xi32, #tpu.memory_space<vmem>>
      %dma_start3A_291 = tpu.memref_slice %arg2[%multiple_of3A_286] : memref<32243712xi32, #tpu.memory_space<hbm>> -> memref<32xi32, #tpu.memory_space<hbm>>
      %dma_start3A_292 = tpu.memref_slice %arg9[%mul3A_283] : memref<8192xi32, #tpu.memory_space<vmem>> -> memref<32xi32, #tpu.memory_space<vmem>>
      %dma_start3A_293 = tpu.memref_slice %arg2[%multiple_of3A_286] : memref<32243712xi32, #tpu.memory_space<hbm>> -> memref<32xi32, #tpu.memory_space<hbm>>
      tpu.enqueue_dma source(%dma_start3A_293 : memref<32xi32, #tpu.memory_space<hbm>>) target(%dma_start3A_292 : memref<32xi32, #tpu.memory_space<vmem>>) target_semaphore(%arg12 : memref<!tpu.dma_semaphore, #tpu.memory_space<semaphore_mem>>)
      %dma_start3A_294 = tpu.memref_slice %arg11[%mul3A_283] : memref<8192xi32, #tpu.memory_space<vmem>> -> memref<32xi32, #tpu.memory_space<vmem>>
      %dma_start3A_295 = tpu.memref_slice %arg4[%multiple_of3A_289] : memref<3407872xi32, #tpu.memory_space<hbm>> -> memref<32xi32, #tpu.memory_space<hbm>>
      %dma_start3A_296 = tpu.memref_slice %arg11[%mul3A_283] : memref<8192xi32, #tpu.memory_space<vmem>> -> memref<32xi32, #tpu.memory_space<vmem>>
      %dma_start3A_297 = tpu.memref_slice %arg4[%multiple_of3A_289] : memref<3407872xi32, #tpu.memory_space<hbm>> -> memref<32xi32, #tpu.memory_space<hbm>>
      tpu.enqueue_dma source(%dma_start3A_297 : memref<32xi32, #tpu.memory_space<hbm>>) target(%dma_start3A_296 : memref<32xi32, #tpu.memory_space<vmem>>) target_semaphore(%arg13 : memref<!tpu.dma_semaphore, #tpu.memory_space<semaphore_mem>>)
      %mul3A_298 = arith.constant 16 : i32
      %mul3A_299 = arith.muli %scan3A_45, %mul3A_298 : i32
      %add3A_300 = arith.constant 10 : i32
      %add3A_301 = arith.addi %mul3A_299, %add3A_300 : i32
      %mul3A_302 = arith.constant 32 : i32
      %mul3A_303 = arith.muli %add3A_301, %mul3A_302 : i32
      %slice3A_304 = vector.extract_strided_slice %add3A_78 {offsets = [10], sizes = [1], strides = [1]} : vector<16xi32> to vector<1xi32>
      %squeeze3A_305 = vector.extract %slice3A_304[0] : i32 from vector<1xi32>
      %multiple_of3A_306 = tpu.assume_multiple %squeeze3A_305, 32 : i32
      %slice3A_307 = vector.extract_strided_slice %add3A_101 {offsets = [10], sizes = [1], strides = [1]} : vector<16xi32> to vector<1xi32>
      %squeeze3A_308 = vector.extract %slice3A_307[0] : i32 from vector<1xi32>
      %multiple_of3A_309 = tpu.assume_multiple %squeeze3A_308, 32 : i32
      %dma_start3A_310 = tpu.memref_slice %arg9[%mul3A_303] : memref<8192xi32, #tpu.memory_space<vmem>> -> memref<32xi32, #tpu.memory_space<vmem>>
      %dma_start3A_311 = tpu.memref_slice %arg2[%multiple_of3A_306] : memref<32243712xi32, #tpu.memory_space<hbm>> -> memref<32xi32, #tpu.memory_space<hbm>>
      %dma_start3A_312 = tpu.memref_slice %arg9[%mul3A_303] : memref<8192xi32, #tpu.memory_space<vmem>> -> memref<32xi32, #tpu.memory_space<vmem>>
      %dma_start3A_313 = tpu.memref_slice %arg2[%multiple_of3A_306] : memref<32243712xi32, #tpu.memory_space<hbm>> -> memref<32xi32, #tpu.memory_space<hbm>>
      tpu.enqueue_dma source(%dma_start3A_313 : memref<32xi32, #tpu.memory_space<hbm>>) target(%dma_start3A_312 : memref<32xi32, #tpu.memory_space<vmem>>) target_semaphore(%arg12 : memref<!tpu.dma_semaphore, #tpu.memory_space<semaphore_mem>>)
      %dma_start3A_314 = tpu.memref_slice %arg11[%mul3A_303] : memref<8192xi32, #tpu.memory_space<vmem>> -> memref<32xi32, #tpu.memory_space<vmem>>
      %dma_start3A_315 = tpu.memref_slice %arg4[%multiple_of3A_309] : memref<3407872xi32, #tpu.memory_space<hbm>> -> memref<32xi32, #tpu.memory_space<hbm>>
      %dma_start3A_316 = tpu.memref_slice %arg11[%mul3A_303] : memref<8192xi32, #tpu.memory_space<vmem>> -> memref<32xi32, #tpu.memory_space<vmem>>
      %dma_start3A_317 = tpu.memref_slice %arg4[%multiple_of3A_309] : memref<3407872xi32, #tpu.memory_space<hbm>> -> memref<32xi32, #tpu.memory_space<hbm>>
      tpu.enqueue_dma source(%dma_start3A_317 : memref<32xi32, #tpu.memory_space<hbm>>) target(%dma_start3A_316 : memref<32xi32, #tpu.memory_space<vmem>>) target_semaphore(%arg13 : memref<!tpu.dma_semaphore, #tpu.memory_space<semaphore_mem>>)
      %mul3A_318 = arith.constant 16 : i32
      %mul3A_319 = arith.muli %scan3A_45, %mul3A_318 : i32
      %add3A_320 = arith.constant 11 : i32
      %add3A_321 = arith.addi %mul3A_319, %add3A_320 : i32
      %mul3A_322 = arith.constant 32 : i32
      %mul3A_323 = arith.muli %add3A_321, %mul3A_322 : i32
      %slice3A_324 = vector.extract_strided_slice %add3A_78 {offsets = [11], sizes = [1], strides = [1]} : vector<16xi32> to vector<1xi32>
      %squeeze3A_325 = vector.extract %slice3A_324[0] : i32 from vector<1xi32>
      %multiple_of3A_326 = tpu.assume_multiple %squeeze3A_325, 32 : i32
      %slice3A_327 = vector.extract_strided_slice %add3A_101 {offsets = [11], sizes = [1], strides = [1]} : vector<16xi32> to vector<1xi32>
      %squeeze3A_328 = vector.extract %slice3A_327[0] : i32 from vector<1xi32>
      %multiple_of3A_329 = tpu.assume_multiple %squeeze3A_328, 32 : i32
      %dma_start3A_330 = tpu.memref_slice %arg9[%mul3A_323] : memref<8192xi32, #tpu.memory_space<vmem>> -> memref<32xi32, #tpu.memory_space<vmem>>
      %dma_start3A_331 = tpu.memref_slice %arg2[%multiple_of3A_326] : memref<32243712xi32, #tpu.memory_space<hbm>> -> memref<32xi32, #tpu.memory_space<hbm>>
      %dma_start3A_332 = tpu.memref_slice %arg9[%mul3A_323] : memref<8192xi32, #tpu.memory_space<vmem>> -> memref<32xi32, #tpu.memory_space<vmem>>
      %dma_start3A_333 = tpu.memref_slice %arg2[%multiple_of3A_326] : memref<32243712xi32, #tpu.memory_space<hbm>> -> memref<32xi32, #tpu.memory_space<hbm>>
      tpu.enqueue_dma source(%dma_start3A_333 : memref<32xi32, #tpu.memory_space<hbm>>) target(%dma_start3A_332 : memref<32xi32, #tpu.memory_space<vmem>>) target_semaphore(%arg12 : memref<!tpu.dma_semaphore, #tpu.memory_space<semaphore_mem>>)
      %dma_start3A_334 = tpu.memref_slice %arg11[%mul3A_323] : memref<8192xi32, #tpu.memory_space<vmem>> -> memref<32xi32, #tpu.memory_space<vmem>>
      %dma_start3A_335 = tpu.memref_slice %arg4[%multiple_of3A_329] : memref<3407872xi32, #tpu.memory_space<hbm>> -> memref<32xi32, #tpu.memory_space<hbm>>
      %dma_start3A_336 = tpu.memref_slice %arg11[%mul3A_323] : memref<8192xi32, #tpu.memory_space<vmem>> -> memref<32xi32, #tpu.memory_space<vmem>>
      %dma_start3A_337 = tpu.memref_slice %arg4[%multiple_of3A_329] : memref<3407872xi32, #tpu.memory_space<hbm>> -> memref<32xi32, #tpu.memory_space<hbm>>
      tpu.enqueue_dma source(%dma_start3A_337 : memref<32xi32, #tpu.memory_space<hbm>>) target(%dma_start3A_336 : memref<32xi32, #tpu.memory_space<vmem>>) target_semaphore(%arg13 : memref<!tpu.dma_semaphore, #tpu.memory_space<semaphore_mem>>)
      %mul3A_338 = arith.constant 16 : i32
      %mul3A_339 = arith.muli %scan3A_45, %mul3A_338 : i32
      %add3A_340 = arith.constant 12 : i32
      %add3A_341 = arith.addi %mul3A_339, %add3A_340 : i32
      %mul3A_342 = arith.constant 32 : i32
      %mul3A_343 = arith.muli %add3A_341, %mul3A_342 : i32
      %slice3A_344 = vector.extract_strided_slice %add3A_78 {offsets = [12], sizes = [1], strides = [1]} : vector<16xi32> to vector<1xi32>
      %squeeze3A_345 = vector.extract %slice3A_344[0] : i32 from vector<1xi32>
      %multiple_of3A_346 = tpu.assume_multiple %squeeze3A_345, 32 : i32
      %slice3A_347 = vector.extract_strided_slice %add3A_101 {offsets = [12], sizes = [1], strides = [1]} : vector<16xi32> to vector<1xi32>
      %squeeze3A_348 = vector.extract %slice3A_347[0] : i32 from vector<1xi32>
      %multiple_of3A_349 = tpu.assume_multiple %squeeze3A_348, 32 : i32
      %dma_start3A_350 = tpu.memref_slice %arg9[%mul3A_343] : memref<8192xi32, #tpu.memory_space<vmem>> -> memref<32xi32, #tpu.memory_space<vmem>>
      %dma_start3A_351 = tpu.memref_slice %arg2[%multiple_of3A_346] : memref<32243712xi32, #tpu.memory_space<hbm>> -> memref<32xi32, #tpu.memory_space<hbm>>
      %dma_start3A_352 = tpu.memref_slice %arg9[%mul3A_343] : memref<8192xi32, #tpu.memory_space<vmem>> -> memref<32xi32, #tpu.memory_space<vmem>>
      %dma_start3A_353 = tpu.memref_slice %arg2[%multiple_of3A_346] : memref<32243712xi32, #tpu.memory_space<hbm>> -> memref<32xi32, #tpu.memory_space<hbm>>
      tpu.enqueue_dma source(%dma_start3A_353 : memref<32xi32, #tpu.memory_space<hbm>>) target(%dma_start3A_352 : memref<32xi32, #tpu.memory_space<vmem>>) target_semaphore(%arg12 : memref<!tpu.dma_semaphore, #tpu.memory_space<semaphore_mem>>)
      %dma_start3A_354 = tpu.memref_slice %arg11[%mul3A_343] : memref<8192xi32, #tpu.memory_space<vmem>> -> memref<32xi32, #tpu.memory_space<vmem>>
      %dma_start3A_355 = tpu.memref_slice %arg4[%multiple_of3A_349] : memref<3407872xi32, #tpu.memory_space<hbm>> -> memref<32xi32, #tpu.memory_space<hbm>>
      %dma_start3A_356 = tpu.memref_slice %arg11[%mul3A_343] : memref<8192xi32, #tpu.memory_space<vmem>> -> memref<32xi32, #tpu.memory_space<vmem>>
      %dma_start3A_357 = tpu.memref_slice %arg4[%multiple_of3A_349] : memref<3407872xi32, #tpu.memory_space<hbm>> -> memref<32xi32, #tpu.memory_space<hbm>>
      tpu.enqueue_dma source(%dma_start3A_357 : memref<32xi32, #tpu.memory_space<hbm>>) target(%dma_start3A_356 : memref<32xi32, #tpu.memory_space<vmem>>) target_semaphore(%arg13 : memref<!tpu.dma_semaphore, #tpu.memory_space<semaphore_mem>>)
      %mul3A_358 = arith.constant 16 : i32
      %mul3A_359 = arith.muli %scan3A_45, %mul3A_358 : i32
      %add3A_360 = arith.constant 13 : i32
      %add3A_361 = arith.addi %mul3A_359, %add3A_360 : i32
      %mul3A_362 = arith.constant 32 : i32
      %mul3A_363 = arith.muli %add3A_361, %mul3A_362 : i32
      %slice3A_364 = vector.extract_strided_slice %add3A_78 {offsets = [13], sizes = [1], strides = [1]} : vector<16xi32> to vector<1xi32>
      %squeeze3A_365 = vector.extract %slice3A_364[0] : i32 from vector<1xi32>
      %multiple_of3A_366 = tpu.assume_multiple %squeeze3A_365, 32 : i32
      %slice3A_367 = vector.extract_strided_slice %add3A_101 {offsets = [13], sizes = [1], strides = [1]} : vector<16xi32> to vector<1xi32>
      %squeeze3A_368 = vector.extract %slice3A_367[0] : i32 from vector<1xi32>
      %multiple_of3A_369 = tpu.assume_multiple %squeeze3A_368, 32 : i32
      %dma_start3A_370 = tpu.memref_slice %arg9[%mul3A_363] : memref<8192xi32, #tpu.memory_space<vmem>> -> memref<32xi32, #tpu.memory_space<vmem>>
      %dma_start3A_371 = tpu.memref_slice %arg2[%multiple_of3A_366] : memref<32243712xi32, #tpu.memory_space<hbm>> -> memref<32xi32, #tpu.memory_space<hbm>>
      %dma_start3A_372 = tpu.memref_slice %arg9[%mul3A_363] : memref<8192xi32, #tpu.memory_space<vmem>> -> memref<32xi32, #tpu.memory_space<vmem>>
      %dma_start3A_373 = tpu.memref_slice %arg2[%multiple_of3A_366] : memref<32243712xi32, #tpu.memory_space<hbm>> -> memref<32xi32, #tpu.memory_space<hbm>>
      tpu.enqueue_dma source(%dma_start3A_373 : memref<32xi32, #tpu.memory_space<hbm>>) target(%dma_start3A_372 : memref<32xi32, #tpu.memory_space<vmem>>) target_semaphore(%arg12 : memref<!tpu.dma_semaphore, #tpu.memory_space<semaphore_mem>>)
      %dma_start3A_374 = tpu.memref_slice %arg11[%mul3A_363] : memref<8192xi32, #tpu.memory_space<vmem>> -> memref<32xi32, #tpu.memory_space<vmem>>
      %dma_start3A_375 = tpu.memref_slice %arg4[%multiple_of3A_369] : memref<3407872xi32, #tpu.memory_space<hbm>> -> memref<32xi32, #tpu.memory_space<hbm>>
      %dma_start3A_376 = tpu.memref_slice %arg11[%mul3A_363] : memref<8192xi32, #tpu.memory_space<vmem>> -> memref<32xi32, #tpu.memory_space<vmem>>
      %dma_start3A_377 = tpu.memref_slice %arg4[%multiple_of3A_369] : memref<3407872xi32, #tpu.memory_space<hbm>> -> memref<32xi32, #tpu.memory_space<hbm>>
      tpu.enqueue_dma source(%dma_start3A_377 : memref<32xi32, #tpu.memory_space<hbm>>) target(%dma_start3A_376 : memref<32xi32, #tpu.memory_space<vmem>>) target_semaphore(%arg13 : memref<!tpu.dma_semaphore, #tpu.memory_space<semaphore_mem>>)
      %mul3A_378 = arith.constant 16 : i32
      %mul3A_379 = arith.muli %scan3A_45, %mul3A_378 : i32
      %add3A_380 = arith.constant 14 : i32
      %add3A_381 = arith.addi %mul3A_379, %add3A_380 : i32
      %mul3A_382 = arith.constant 32 : i32
      %mul3A_383 = arith.muli %add3A_381, %mul3A_382 : i32
      %slice3A_384 = vector.extract_strided_slice %add3A_78 {offsets = [14], sizes = [1], strides = [1]} : vector<16xi32> to vector<1xi32>
      %squeeze3A_385 = vector.extract %slice3A_384[0] : i32 from vector<1xi32>
      %multiple_of3A_386 = tpu.assume_multiple %squeeze3A_385, 32 : i32
      %slice3A_387 = vector.extract_strided_slice %add3A_101 {offsets = [14], sizes = [1], strides = [1]} : vector<16xi32> to vector<1xi32>
      %squeeze3A_388 = vector.extract %slice3A_387[0] : i32 from vector<1xi32>
      %multiple_of3A_389 = tpu.assume_multiple %squeeze3A_388, 32 : i32
      %dma_start3A_390 = tpu.memref_slice %arg9[%mul3A_383] : memref<8192xi32, #tpu.memory_space<vmem>> -> memref<32xi32, #tpu.memory_space<vmem>>
      %dma_start3A_391 = tpu.memref_slice %arg2[%multiple_of3A_386] : memref<32243712xi32, #tpu.memory_space<hbm>> -> memref<32xi32, #tpu.memory_space<hbm>>
      %dma_start3A_392 = tpu.memref_slice %arg9[%mul3A_383] : memref<8192xi32, #tpu.memory_space<vmem>> -> memref<32xi32, #tpu.memory_space<vmem>>
      %dma_start3A_393 = tpu.memref_slice %arg2[%multiple_of3A_386] : memref<32243712xi32, #tpu.memory_space<hbm>> -> memref<32xi32, #tpu.memory_space<hbm>>
      tpu.enqueue_dma source(%dma_start3A_393 : memref<32xi32, #tpu.memory_space<hbm>>) target(%dma_start3A_392 : memref<32xi32, #tpu.memory_space<vmem>>) target_semaphore(%arg12 : memref<!tpu.dma_semaphore, #tpu.memory_space<semaphore_mem>>)
      %dma_start3A_394 = tpu.memref_slice %arg11[%mul3A_383] : memref<8192xi32, #tpu.memory_space<vmem>> -> memref<32xi32, #tpu.memory_space<vmem>>
      %dma_start3A_395 = tpu.memref_slice %arg4[%multiple_of3A_389] : memref<3407872xi32, #tpu.memory_space<hbm>> -> memref<32xi32, #tpu.memory_space<hbm>>
      %dma_start3A_396 = tpu.memref_slice %arg11[%mul3A_383] : memref<8192xi32, #tpu.memory_space<vmem>> -> memref<32xi32, #tpu.memory_space<vmem>>
      %dma_start3A_397 = tpu.memref_slice %arg4[%multiple_of3A_389] : memref<3407872xi32, #tpu.memory_space<hbm>> -> memref<32xi32, #tpu.memory_space<hbm>>
      tpu.enqueue_dma source(%dma_start3A_397 : memref<32xi32, #tpu.memory_space<hbm>>) target(%dma_start3A_396 : memref<32xi32, #tpu.memory_space<vmem>>) target_semaphore(%arg13 : memref<!tpu.dma_semaphore, #tpu.memory_space<semaphore_mem>>)
      %mul3A_398 = arith.constant 16 : i32
      %mul3A_399 = arith.muli %scan3A_45, %mul3A_398 : i32
      %add3A_400 = arith.constant 15 : i32
      %add3A_401 = arith.addi %mul3A_399, %add3A_400 : i32
      %mul3A_402 = arith.constant 32 : i32
      %mul3A_403 = arith.muli %add3A_401, %mul3A_402 : i32
      %slice3A_404 = vector.extract_strided_slice %add3A_78 {offsets = [15], sizes = [1], strides = [1]} : vector<16xi32> to vector<1xi32>
      %squeeze3A_405 = vector.extract %slice3A_404[0] : i32 from vector<1xi32>
      %multiple_of3A_406 = tpu.assume_multiple %squeeze3A_405, 32 : i32
      %slice3A_407 = vector.extract_strided_slice %add3A_101 {offsets = [15], sizes = [1], strides = [1]} : vector<16xi32> to vector<1xi32>
      %squeeze3A_408 = vector.extract %slice3A_407[0] : i32 from vector<1xi32>
      %multiple_of3A_409 = tpu.assume_multiple %squeeze3A_408, 32 : i32
      %dma_start3A_410 = tpu.memref_slice %arg9[%mul3A_403] : memref<8192xi32, #tpu.memory_space<vmem>> -> memref<32xi32, #tpu.memory_space<vmem>>
      %dma_start3A_411 = tpu.memref_slice %arg2[%multiple_of3A_406] : memref<32243712xi32, #tpu.memory_space<hbm>> -> memref<32xi32, #tpu.memory_space<hbm>>
      %dma_start3A_412 = tpu.memref_slice %arg9[%mul3A_403] : memref<8192xi32, #tpu.memory_space<vmem>> -> memref<32xi32, #tpu.memory_space<vmem>>
      %dma_start3A_413 = tpu.memref_slice %arg2[%multiple_of3A_406] : memref<32243712xi32, #tpu.memory_space<hbm>> -> memref<32xi32, #tpu.memory_space<hbm>>
      tpu.enqueue_dma source(%dma_start3A_413 : memref<32xi32, #tpu.memory_space<hbm>>) target(%dma_start3A_412 : memref<32xi32, #tpu.memory_space<vmem>>) target_semaphore(%arg12 : memref<!tpu.dma_semaphore, #tpu.memory_space<semaphore_mem>>)
      %dma_start3A_414 = tpu.memref_slice %arg11[%mul3A_403] : memref<8192xi32, #tpu.memory_space<vmem>> -> memref<32xi32, #tpu.memory_space<vmem>>
      %dma_start3A_415 = tpu.memref_slice %arg4[%multiple_of3A_409] : memref<3407872xi32, #tpu.memory_space<hbm>> -> memref<32xi32, #tpu.memory_space<hbm>>
      %dma_start3A_416 = tpu.memref_slice %arg11[%mul3A_403] : memref<8192xi32, #tpu.memory_space<vmem>> -> memref<32xi32, #tpu.memory_space<vmem>>
      %dma_start3A_417 = tpu.memref_slice %arg4[%multiple_of3A_409] : memref<3407872xi32, #tpu.memory_space<hbm>> -> memref<32xi32, #tpu.memory_space<hbm>>
      tpu.enqueue_dma source(%dma_start3A_417 : memref<32xi32, #tpu.memory_space<hbm>>) target(%dma_start3A_416 : memref<32xi32, #tpu.memory_space<vmem>>) target_semaphore(%arg13 : memref<!tpu.dma_semaphore, #tpu.memory_space<semaphore_mem>>)
    }
    %scan3A_28 = arith.constant 16 : i32
    %dma_wait3A_29 = arith.constant 0 : i32
    %dma_wait3A_30 = tpu.memref_slice %arg2[%dma_wait3A_29] : memref<32243712xi32, #tpu.memory_space<hbm>> -> memref<8192xi32, #tpu.memory_space<hbm>>
    %dma_wait3A_31 = arith.constant 0 : i32
    %dma_wait3A_32 = tpu.memref_slice %arg2[%dma_wait3A_31] : memref<32243712xi32, #tpu.memory_space<hbm>> -> memref<8192xi32, #tpu.memory_space<hbm>>
    tpu.wait_dma2 semaphore(%arg12 : memref<!tpu.dma_semaphore, #tpu.memory_space<semaphore_mem>>) src(%dma_wait3A_32 : memref<8192xi32, #tpu.memory_space<hbm>>) dst(%arg9 : memref<8192xi32, #tpu.memory_space<vmem>>)
    %dma_wait3A_33 = arith.constant 0 : i32
    %dma_wait3A_34 = tpu.memref_slice %arg4[%dma_wait3A_33] : memref<3407872xi32, #tpu.memory_space<hbm>> -> memref<8192xi32, #tpu.memory_space<hbm>>
    %dma_wait3A_35 = arith.constant 0 : i32
    %dma_wait3A_36 = tpu.memref_slice %arg4[%dma_wait3A_35] : memref<3407872xi32, #tpu.memory_space<hbm>> -> memref<8192xi32, #tpu.memory_space<hbm>>
    tpu.wait_dma2 semaphore(%arg13 : memref<!tpu.dma_semaphore, #tpu.memory_space<semaphore_mem>>) src(%dma_wait3A_36 : memref<8192xi32, #tpu.memory_space<hbm>>) dst(%arg11 : memref<8192xi32, #tpu.memory_space<vmem>>)
    %add3A_37 = arith.constant 256 : i32
    %add3A_38 = arith.addi %mul3A_2, %add3A_37 : i32
    %mul3A_39 = arith.constant 32 : i32
    %mul3A_40 = arith.muli %add3A_38, %mul3A_39 : i32
    "tpu.region"() ({
      %run_scoped3A = tpu.sem_alloc : memref<!tpu.dma_semaphore, #tpu.memory_space<semaphore_mem>>
      %dma_start3A = tpu.memref_slice %arg6[%mul3A_40] : memref<524288xi32, #tpu.memory_space<hbm>> -> memref<8192xi32, #tpu.memory_space<hbm>>
      %dma_start3A_45 = tpu.memref_slice %arg6[%mul3A_40] : memref<524288xi32, #tpu.memory_space<hbm>> -> memref<8192xi32, #tpu.memory_space<hbm>>
      tpu.enqueue_dma source(%arg9 : memref<8192xi32, #tpu.memory_space<vmem>>) target(%dma_start3A_45 : memref<8192xi32, #tpu.memory_space<hbm>>) target_semaphore(%run_scoped3A : memref<!tpu.dma_semaphore, #tpu.memory_space<semaphore_mem>>)
      %dma_wait3A_46 = tpu.memref_slice %arg6[%mul3A_40] : memref<524288xi32, #tpu.memory_space<hbm>> -> memref<8192xi32, #tpu.memory_space<hbm>>
      %dma_wait3A_47 = tpu.memref_slice %arg6[%mul3A_40] : memref<524288xi32, #tpu.memory_space<hbm>> -> memref<8192xi32, #tpu.memory_space<hbm>>
      tpu.wait_dma2 semaphore(%run_scoped3A : memref<!tpu.dma_semaphore, #tpu.memory_space<semaphore_mem>>) src(%arg9 : memref<8192xi32, #tpu.memory_space<vmem>>) dst(%dma_wait3A_47 : memref<8192xi32, #tpu.memory_space<hbm>>)
      tpu.yield
    }) : () -> ()
    %add3A_41 = arith.constant 256 : i32
    %add3A_42 = arith.addi %mul3A_2, %add3A_41 : i32
    %mul3A_43 = arith.constant 32 : i32
    %mul3A_44 = arith.muli %add3A_42, %mul3A_43 : i32
    "tpu.region"() ({
      %run_scoped3A = tpu.sem_alloc : memref<!tpu.dma_semaphore, #tpu.memory_space<semaphore_mem>>
      %dma_start3A = tpu.memref_slice %arg7[%mul3A_44] : memref<524288xi32, #tpu.memory_space<hbm>> -> memref<8192xi32, #tpu.memory_space<hbm>>
      %dma_start3A_45 = tpu.memref_slice %arg7[%mul3A_44] : memref<524288xi32, #tpu.memory_space<hbm>> -> memref<8192xi32, #tpu.memory_space<hbm>>
      tpu.enqueue_dma source(%arg11 : memref<8192xi32, #tpu.memory_space<vmem>>) target(%dma_start3A_45 : memref<8192xi32, #tpu.memory_space<hbm>>) target_semaphore(%run_scoped3A : memref<!tpu.dma_semaphore, #tpu.memory_space<semaphore_mem>>)
      %dma_wait3A_46 = tpu.memref_slice %arg7[%mul3A_44] : memref<524288xi32, #tpu.memory_space<hbm>> -> memref<8192xi32, #tpu.memory_space<hbm>>
      %dma_wait3A_47 = tpu.memref_slice %arg7[%mul3A_44] : memref<524288xi32, #tpu.memory_space<hbm>> -> memref<8192xi32, #tpu.memory_space<hbm>>
      tpu.wait_dma2 semaphore(%run_scoped3A : memref<!tpu.dma_semaphore, #tpu.memory_space<semaphore_mem>>) src(%arg11 : memref<8192xi32, #tpu.memory_space<vmem>>) dst(%dma_wait3A_47 : memref<8192xi32, #tpu.memory_space<hbm>>)
      tpu.yield
    }) : () -> ()
    return
  }
}

module attributes {stable_mosaic.version = 14 : i64} {
  func.func @_mlp_body(%arg0: i32, %arg1: memref<2048x32xi32, #tpu.memory_space<vmem>>, %arg2: memref<2048x32xi32, #tpu.memory_space<vmem>>, %arg3: memref<32x256xf32, #tpu.memory_space<vmem>>, %arg4: memref<32x256xf32, #tpu.memory_space<vmem>>, %arg5: memref<32x256xf32, #tpu.memory_space<vmem>>, %arg6: memref<32x256xf32, #tpu.memory_space<vmem>>, %arg7: memref<1x256xf32, #tpu.memory_space<vmem>>, %arg8: memref<256x64xf32, #tpu.memory_space<vmem>>, %arg9: memref<1x64xf32, #tpu.memory_space<vmem>>, %arg10: memref<1x64xf32, #tpu.memory_space<vmem>>, %arg11: memref<1x1xf32, #tpu.memory_space<vmem>>, %arg12: memref<2048x1xf32, #tpu.memory_space<vmem>>) attributes {dimension_semantics = [#tpu.dimension_semantics<arbitrary>], iteration_bounds = array<i64: 8>, scalar_prefetch = 0 : i64, scratch_operands = 0 : i64, tpu.core_type = #tpu.core_type<tc>, window_params = [{transform_indices = @transform_0, window_bounds = array<i64: 2048, 32>}, {transform_indices = @transform_1, window_bounds = array<i64: 2048, 32>}, {pipeline_mode = #tpu.pipeline_mode<synchronous>, transform_indices = @transform_2, window_bounds = array<i64: 32, 256>}, {pipeline_mode = #tpu.pipeline_mode<synchronous>, transform_indices = @transform_3, window_bounds = array<i64: 32, 256>}, {pipeline_mode = #tpu.pipeline_mode<synchronous>, transform_indices = @transform_4, window_bounds = array<i64: 32, 256>}, {pipeline_mode = #tpu.pipeline_mode<synchronous>, transform_indices = @transform_5, window_bounds = array<i64: 32, 256>}, {pipeline_mode = #tpu.pipeline_mode<synchronous>, transform_indices = @transform_6, window_bounds = array<i64: 1, 256>}, {pipeline_mode = #tpu.pipeline_mode<synchronous>, transform_indices = @transform_7, window_bounds = array<i64: 256, 64>}, {pipeline_mode = #tpu.pipeline_mode<synchronous>, transform_indices = @transform_8, window_bounds = array<i64: 1, 64>}, {pipeline_mode = #tpu.pipeline_mode<synchronous>, transform_indices = @transform_9, window_bounds = array<i64: 1, 64>}, {pipeline_mode = #tpu.pipeline_mode<synchronous>, transform_indices = @transform_10, window_bounds = array<i64: 1, 1>}, {transform_indices = @transform_11, window_bounds = array<i64: 2048, 1>}]} {
    %get3A = arith.constant 0 : index
    %get3A_0 = arith.constant 0 : index
    %get3A_1 = vector.load %arg1[%get3A, %get3A_0] : memref<2048x32xi32, #tpu.memory_space<vmem>>, vector<2048x32xi32>
    %shift_left3A = arith.constant 16 : i32
    %shift_left3A_2 = vector.broadcast %shift_left3A : i32 to vector<2048x32xi32>
    %shift_left3A_3 = arith.shli %get3A_1, %shift_left3A_2 : vector<2048x32xi32>
    %bitcast_convert_type3A = tpu.bitcast %shift_left3A_3 : vector<2048x32xi32> -> vector<2048x32xf32>
    %and3A = arith.constant -65536 : i32
    %and3A_4 = vector.broadcast %and3A : i32 to vector<2048x32xi32>
    %and3A_5 = arith.andi %get3A_1, %and3A_4 : vector<2048x32xi32>
    %bitcast_convert_type3A_6 = tpu.bitcast %and3A_5 : vector<2048x32xi32> -> vector<2048x32xf32>
    %get3A_7 = arith.constant 0 : index
    %get3A_8 = arith.constant 0 : index
    %get3A_9 = vector.load %arg2[%get3A_7, %get3A_8] : memref<2048x32xi32, #tpu.memory_space<vmem>>, vector<2048x32xi32>
    %shift_left3A_10 = arith.constant 16 : i32
    %shift_left3A_11 = vector.broadcast %shift_left3A_10 : i32 to vector<2048x32xi32>
    %shift_left3A_12 = arith.shli %get3A_9, %shift_left3A_11 : vector<2048x32xi32>
    %bitcast_convert_type3A_13 = tpu.bitcast %shift_left3A_12 : vector<2048x32xi32> -> vector<2048x32xf32>
    %and3A_14 = arith.constant -65536 : i32
    %and3A_15 = vector.broadcast %and3A_14 : i32 to vector<2048x32xi32>
    %and3A_16 = arith.andi %get3A_9, %and3A_15 : vector<2048x32xi32>
    %bitcast_convert_type3A_17 = tpu.bitcast %and3A_16 : vector<2048x32xi32> -> vector<2048x32xf32>
    %get3A_18 = arith.constant 0 : index
    %get3A_19 = arith.constant 0 : index
    %get3A_20 = vector.load %arg3[%get3A_18, %get3A_19] : memref<32x256xf32, #tpu.memory_space<vmem>>, vector<32x256xf32>
    %dot_general3A = arith.constant dense<0.000000e+00> : vector<2048x256xf32>
    %dot_general3A_21 = tpu.matmul %bitcast_convert_type3A, %get3A_20, %dot_general3A {dimension_numbers = #tpu.dot_dimension_numbers<[1], [0], [0], [1], [0, 0, 1, 1], [], []>, transpose_lhs_hint = false} : vector<2048x32xf32>, vector<32x256xf32>, vector<2048x256xf32> -> vector<2048x256xf32>
    %get3A_22 = arith.constant 0 : index
    %get3A_23 = arith.constant 0 : index
    %get3A_24 = vector.load %arg4[%get3A_22, %get3A_23] : memref<32x256xf32, #tpu.memory_space<vmem>>, vector<32x256xf32>
    %dot_general3A_25 = arith.constant dense<0.000000e+00> : vector<2048x256xf32>
    %dot_general3A_26 = tpu.matmul %bitcast_convert_type3A_6, %get3A_24, %dot_general3A_25 {dimension_numbers = #tpu.dot_dimension_numbers<[1], [0], [0], [1], [0, 0, 1, 1], [], []>, transpose_lhs_hint = false} : vector<2048x32xf32>, vector<32x256xf32>, vector<2048x256xf32> -> vector<2048x256xf32>
    %add3A = arith.addf %dot_general3A_21, %dot_general3A_26 : vector<2048x256xf32>
    %get3A_27 = arith.constant 0 : index
    %get3A_28 = arith.constant 0 : index
    %get3A_29 = vector.load %arg5[%get3A_27, %get3A_28] : memref<32x256xf32, #tpu.memory_space<vmem>>, vector<32x256xf32>
    %dot_general3A_30 = arith.constant dense<0.000000e+00> : vector<2048x256xf32>
    %dot_general3A_31 = tpu.matmul %bitcast_convert_type3A_13, %get3A_29, %dot_general3A_30 {dimension_numbers = #tpu.dot_dimension_numbers<[1], [0], [0], [1], [0, 0, 1, 1], [], []>, transpose_lhs_hint = false} : vector<2048x32xf32>, vector<32x256xf32>, vector<2048x256xf32> -> vector<2048x256xf32>
    %add3A_32 = arith.addf %add3A, %dot_general3A_31 : vector<2048x256xf32>
    %get3A_33 = arith.constant 0 : index
    %get3A_34 = arith.constant 0 : index
    %get3A_35 = vector.load %arg6[%get3A_33, %get3A_34] : memref<32x256xf32, #tpu.memory_space<vmem>>, vector<32x256xf32>
    %dot_general3A_36 = arith.constant dense<0.000000e+00> : vector<2048x256xf32>
    %dot_general3A_37 = tpu.matmul %bitcast_convert_type3A_17, %get3A_35, %dot_general3A_36 {dimension_numbers = #tpu.dot_dimension_numbers<[1], [0], [0], [1], [0, 0, 1, 1], [], []>, transpose_lhs_hint = false} : vector<2048x32xf32>, vector<32x256xf32>, vector<2048x256xf32> -> vector<2048x256xf32>
    %add3A_38 = arith.addf %add3A_32, %dot_general3A_37 : vector<2048x256xf32>
    %get3A_39 = arith.constant 0 : index
    %get3A_40 = arith.constant 0 : index
    %get3A_41 = vector.load %arg7[%get3A_39, %get3A_40] : memref<1x256xf32, #tpu.memory_space<vmem>>, vector<1x256xf32>
    %add3A_42 = vector.broadcast %get3A_41 : vector<1x256xf32> to vector<2048x256xf32>
    %add3A_43 = arith.addf %add3A_38, %add3A_42 : vector<2048x256xf32>
    %max3A = arith.constant 0.000000e+00 : f32
    %max3A_44 = vector.broadcast %max3A : f32 to vector<2048x256xf32>
    %max3A_45 = arith.maximumf %add3A_43, %max3A_44 : vector<2048x256xf32>
    %get3A_46 = arith.constant 0 : index
    %get3A_47 = arith.constant 0 : index
    %get3A_48 = vector.load %arg8[%get3A_46, %get3A_47] : memref<256x64xf32, #tpu.memory_space<vmem>>, vector<256x64xf32>
    %dot_general3A_49 = arith.constant dense<0.000000e+00> : vector<2048x64xf32>
    %dot_general3A_50 = tpu.matmul %max3A_45, %get3A_48, %dot_general3A_49 {dimension_numbers = #tpu.dot_dimension_numbers<[1], [0], [0], [1], [0, 0, 1, 1], [], []>, transpose_lhs_hint = false} : vector<2048x256xf32>, vector<256x64xf32>, vector<2048x64xf32> -> vector<2048x64xf32>
    %get3A_51 = arith.constant 0 : index
    %get3A_52 = arith.constant 0 : index
    %get3A_53 = vector.load %arg9[%get3A_51, %get3A_52] : memref<1x64xf32, #tpu.memory_space<vmem>>, vector<1x64xf32>
    %add3A_54 = vector.broadcast %get3A_53 : vector<1x64xf32> to vector<2048x64xf32>
    %add3A_55 = arith.addf %dot_general3A_50, %add3A_54 : vector<2048x64xf32>
    %max3A_56 = arith.constant 0.000000e+00 : f32
    %max3A_57 = vector.broadcast %max3A_56 : f32 to vector<2048x64xf32>
    %max3A_58 = arith.maximumf %add3A_55, %max3A_57 : vector<2048x64xf32>
    %get3A_59 = arith.constant 0 : index
    %get3A_60 = arith.constant 0 : index
    %get3A_61 = vector.load %arg10[%get3A_59, %get3A_60] : memref<1x64xf32, #tpu.memory_space<vmem>>, vector<1x64xf32>
    %mul3A = vector.broadcast %get3A_61 : vector<1x64xf32> to vector<2048x64xf32>
    %mul3A_62 = arith.mulf %max3A_58, %mul3A : vector<2048x64xf32>
    %reduce_sum3A = arith.constant dense<0.000000e+00> : vector<2048xf32>
    %reduce_sum3A_63 = vector.multi_reduction <add>, %mul3A_62, %reduce_sum3A [1] : vector<2048x64xf32> to vector<2048xf32>
    %broadcast_in_dim3A = vector.shape_cast %reduce_sum3A_63 : vector<2048xf32> to vector<2048x1xf32>
    %get3A_64 = arith.constant 0 : index
    %get3A_65 = arith.constant 0 : index
    %get3A_66 = vector.load %arg11[%get3A_64, %get3A_65] : memref<1x1xf32, #tpu.memory_space<vmem>>, vector<1x1xf32>
    %add3A_67 = vector.broadcast %get3A_66 : vector<1x1xf32> to vector<2048x1xf32>
    %add3A_68 = arith.addf %broadcast_in_dim3A, %add3A_67 : vector<2048x1xf32>
    %swap3A = arith.constant 0 : index
    %swap3A_69 = arith.constant 0 : index
    %swap3A_70 = vector.load %arg12[%swap3A, %swap3A_69] : memref<2048x1xf32, #tpu.memory_space<vmem>>, vector<2048x1xf32>
    tpu.vector_store %arg12[%swap3A, %swap3A_69], %add3A_68 {strides = array<i32>} : memref<2048x1xf32, #tpu.memory_space<vmem>>, vector<2048x1xf32>,
    return
  }
  func.func @transform_0(%arg0: i32) -> (i32, i32) {
    %c0_i32 = arith.constant 0 : i32
    %c0_i32_0 = arith.constant 0 : i32
    return %arg0, %c0_i32 : i32, i32
  }
  func.func @transform_1(%arg0: i32) -> (i32, i32) {
    %c0_i32 = arith.constant 0 : i32
    %c0_i32_0 = arith.constant 0 : i32
    return %arg0, %c0_i32 : i32, i32
  }
  func.func @transform_2(%arg0: i32) -> (i32, i32) {
    %c0_i32 = arith.constant 0 : i32
    %c0_i32_0 = arith.constant 0 : i32
    %c0_i32_1 = arith.constant 0 : i32
    return %c0_i32, %c0_i32_0 : i32, i32
  }
  func.func @transform_3(%arg0: i32) -> (i32, i32) {
    %c0_i32 = arith.constant 0 : i32
    %c0_i32_0 = arith.constant 0 : i32
    %c0_i32_1 = arith.constant 0 : i32
    return %c0_i32, %c0_i32_0 : i32, i32
  }
  func.func @transform_4(%arg0: i32) -> (i32, i32) {
    %c0_i32 = arith.constant 0 : i32
    %c0_i32_0 = arith.constant 0 : i32
    %c0_i32_1 = arith.constant 0 : i32
    return %c0_i32, %c0_i32_0 : i32, i32
  }
  func.func @transform_5(%arg0: i32) -> (i32, i32) {
    %c0_i32 = arith.constant 0 : i32
    %c0_i32_0 = arith.constant 0 : i32
    %c0_i32_1 = arith.constant 0 : i32
    return %c0_i32, %c0_i32_0 : i32, i32
  }
  func.func @transform_6(%arg0: i32) -> (i32, i32) {
    %c0_i32 = arith.constant 0 : i32
    %c0_i32_0 = arith.constant 0 : i32
    %c0_i32_1 = arith.constant 0 : i32
    return %c0_i32, %c0_i32_0 : i32, i32
  }
  func.func @transform_7(%arg0: i32) -> (i32, i32) {
    %c0_i32 = arith.constant 0 : i32
    %c0_i32_0 = arith.constant 0 : i32
    %c0_i32_1 = arith.constant 0 : i32
    return %c0_i32, %c0_i32_0 : i32, i32
  }
  func.func @transform_8(%arg0: i32) -> (i32, i32) {
    %c0_i32 = arith.constant 0 : i32
    %c0_i32_0 = arith.constant 0 : i32
    %c0_i32_1 = arith.constant 0 : i32
    return %c0_i32, %c0_i32_0 : i32, i32
  }
  func.func @transform_9(%arg0: i32) -> (i32, i32) {
    %c0_i32 = arith.constant 0 : i32
    %c0_i32_0 = arith.constant 0 : i32
    %c0_i32_1 = arith.constant 0 : i32
    return %c0_i32, %c0_i32_0 : i32, i32
  }
  func.func @transform_10(%arg0: i32) -> (i32, i32) {
    %c0_i32 = arith.constant 0 : i32
    %c0_i32_0 = arith.constant 0 : i32
    %c0_i32_1 = arith.constant 0 : i32
    return %c0_i32, %c0_i32_0 : i32, i32
  }
  func.func @transform_11(%arg0: i32) -> (i32, i32) {
    %c0_i32 = arith.constant 0 : i32
    %c0_i32_0 = arith.constant 0 : i32
    return %arg0, %c0_i32 : i32, i32
  }
}

module attributes {stable_mosaic.version = 14 : i64} {
  func.func @_transpose_body(%arg0: i32, %arg1: memref<64x8192xf32, #tpu.memory_space<vmem>>, %arg2: memref<2048x128xi32, #tpu.memory_space<vmem>>) attributes {dimension_semantics = [#tpu.dimension_semantics<arbitrary>], iteration_bounds = array<i64: 123>, scalar_prefetch = 0 : i64, scratch_operands = 0 : i64, tpu.core_type = #tpu.core_type<tc>, window_params = [{transform_indices = @transform_0, window_bounds = array<i64: 64, 8192>}, {transform_indices = @transform_1, window_bounds = array<i64: 2048, 128>}]} {
    %get3A = arith.constant 0 : index
    %get3A_0 = arith.constant 0 : index
    %get3A_1 = vector.load %arg1[%get3A, %get3A_0] : memref<64x8192xf32, #tpu.memory_space<vmem>>, vector<64x8192xf32>
    %slice3A = vector.extract_strided_slice %get3A_1 {offsets = [0, 0], sizes = [32, 8192], strides = [1, 1]} : vector<64x8192xf32> to vector<32x8192xf32>
    %bitcast_convert_type3A = tpu.bitcast %slice3A : vector<32x8192xf32> -> vector<32x8192xi32>
    %add3A = arith.constant 32767 : i32
    %add3A_2 = vector.broadcast %add3A : i32 to vector<32x8192xi32>
    %add3A_3 = arith.addi %bitcast_convert_type3A, %add3A_2 : vector<32x8192xi32>
    %shift_right_logical3A = arith.constant 16 : i32
    %shift_right_logical3A_4 = vector.broadcast %shift_right_logical3A : i32 to vector<32x8192xi32>
    %shift_right_logical3A_5 = arith.shrui %bitcast_convert_type3A, %shift_right_logical3A_4 : vector<32x8192xi32>
    %and3A = arith.constant 1 : i32
    %and3A_6 = vector.broadcast %and3A : i32 to vector<32x8192xi32>
    %and3A_7 = arith.andi %shift_right_logical3A_5, %and3A_6 : vector<32x8192xi32>
    %add3A_8 = arith.addi %add3A_3, %and3A_7 : vector<32x8192xi32>
    %shift_right_logical3A_9 = arith.constant 16 : i32
    %shift_right_logical3A_10 = vector.broadcast %shift_right_logical3A_9 : i32 to vector<32x8192xi32>
    %shift_right_logical3A_11 = arith.shrui %add3A_8, %shift_right_logical3A_10 : vector<32x8192xi32>
    %slice3A_12 = vector.extract_strided_slice %get3A_1 {offsets = [32, 0], sizes = [32, 8192], strides = [1, 1]} : vector<64x8192xf32> to vector<32x8192xf32>
    %bitcast_convert_type3A_13 = tpu.bitcast %slice3A_12 : vector<32x8192xf32> -> vector<32x8192xi32>
    %add3A_14 = arith.constant 32767 : i32
    %add3A_15 = vector.broadcast %add3A_14 : i32 to vector<32x8192xi32>
    %add3A_16 = arith.addi %bitcast_convert_type3A_13, %add3A_15 : vector<32x8192xi32>
    %shift_right_logical3A_17 = arith.constant 16 : i32
    %shift_right_logical3A_18 = vector.broadcast %shift_right_logical3A_17 : i32 to vector<32x8192xi32>
    %shift_right_logical3A_19 = arith.shrui %bitcast_convert_type3A_13, %shift_right_logical3A_18 : vector<32x8192xi32>
    %and3A_20 = arith.constant 1 : i32
    %and3A_21 = vector.broadcast %and3A_20 : i32 to vector<32x8192xi32>
    %and3A_22 = arith.andi %shift_right_logical3A_19, %and3A_21 : vector<32x8192xi32>
    %add3A_23 = arith.addi %add3A_16, %and3A_22 : vector<32x8192xi32>
    %shift_right_logical3A_24 = arith.constant 16 : i32
    %shift_right_logical3A_25 = vector.broadcast %shift_right_logical3A_24 : i32 to vector<32x8192xi32>
    %shift_right_logical3A_26 = arith.shrui %add3A_23, %shift_right_logical3A_25 : vector<32x8192xi32>
    %shift_left3A = arith.constant 16 : i32
    %shift_left3A_27 = vector.broadcast %shift_left3A : i32 to vector<32x8192xi32>
    %shift_left3A_28 = arith.shli %shift_right_logical3A_26, %shift_left3A_27 : vector<32x8192xi32>
    %or3A = arith.ori %shift_right_logical3A_11, %shift_left3A_28 : vector<32x8192xi32>
    %bitcast_convert_type3A_29 = tpu.bitcast %or3A : vector<32x8192xi32> -> vector<32x8192xi32>
    %slice3A_30 = vector.extract_strided_slice %bitcast_convert_type3A_29 {offsets = [0, 0], sizes = [32, 2048], strides = [1, 1]} : vector<32x8192xi32> to vector<32x2048xi32>
    %transpose3A = tpu.transpose %slice3A_30, [1, 0] : vector<32x2048xi32> -> vector<2048x32xi32>
    %slice3A_31 = vector.extract_strided_slice %bitcast_convert_type3A_29 {offsets = [0, 2048], sizes = [32, 2048], strides = [1, 1]} : vector<32x8192xi32> to vector<32x2048xi32>
    %transpose3A_32 = tpu.transpose %slice3A_31, [1, 0] : vector<32x2048xi32> -> vector<2048x32xi32>
    %slice3A_33 = vector.extract_strided_slice %bitcast_convert_type3A_29 {offsets = [0, 4096], sizes = [32, 2048], strides = [1, 1]} : vector<32x8192xi32> to vector<32x2048xi32>
    %transpose3A_34 = tpu.transpose %slice3A_33, [1, 0] : vector<32x2048xi32> -> vector<2048x32xi32>
    %slice3A_35 = vector.extract_strided_slice %bitcast_convert_type3A_29 {offsets = [0, 6144], sizes = [32, 2048], strides = [1, 1]} : vector<32x8192xi32> to vector<32x2048xi32>
    %transpose3A_36 = tpu.transpose %slice3A_35, [1, 0] : vector<32x2048xi32> -> vector<2048x32xi32>
    %concatenate3A = tpu.concatenate %transpose3A, %transpose3A_32, %transpose3A_34, %transpose3A_36 in 1 : vector<2048x32xi32>, vector<2048x32xi32>, vector<2048x32xi32>, vector<2048x32xi32> -> vector<2048x128xi32>
    %swap3A = arith.constant 0 : index
    %swap3A_37 = arith.constant 0 : index
    %swap3A_38 = vector.load %arg2[%swap3A, %swap3A_37] : memref<2048x128xi32, #tpu.memory_space<vmem>>, vector<2048x128xi32>
    tpu.vector_store %arg2[%swap3A, %swap3A_37], %concatenate3A {strides = array<i32>} : memref<2048x128xi32, #tpu.memory_space<vmem>>, vector<2048x128xi32>,
    return
  }
  func.func @transform_0(%arg0: i32) -> (i32, i32) {
    %c0_i32 = arith.constant 0 : i32
    %c0_i32_0 = arith.constant 0 : i32
    return %c0_i32, %arg0 : i32, i32
  }
  func.func @transform_1(%arg0: i32) -> (i32, i32) {
    %c0_i32 = arith.constant 0 : i32
    %c0_i32_0 = arith.constant 0 : i32
    return %arg0, %c0_i32 : i32, i32
  }
}

module attributes {stable_mosaic.version = 14 : i64} {
  func.func @_transpose_body(%arg0: i32, %arg1: memref<64x8192xf32, #tpu.memory_space<vmem>>, %arg2: memref<2048x128xi32, #tpu.memory_space<vmem>>) attributes {dimension_semantics = [#tpu.dimension_semantics<arbitrary>], iteration_bounds = array<i64: 13>, scalar_prefetch = 0 : i64, scratch_operands = 0 : i64, tpu.core_type = #tpu.core_type<tc>, window_params = [{transform_indices = @transform_0, window_bounds = array<i64: 64, 8192>}, {transform_indices = @transform_1, window_bounds = array<i64: 2048, 128>}]} {
    %get3A = arith.constant 0 : index
    %get3A_0 = arith.constant 0 : index
    %get3A_1 = vector.load %arg1[%get3A, %get3A_0] : memref<64x8192xf32, #tpu.memory_space<vmem>>, vector<64x8192xf32>
    %slice3A = vector.extract_strided_slice %get3A_1 {offsets = [0, 0], sizes = [32, 8192], strides = [1, 1]} : vector<64x8192xf32> to vector<32x8192xf32>
    %bitcast_convert_type3A = tpu.bitcast %slice3A : vector<32x8192xf32> -> vector<32x8192xi32>
    %add3A = arith.constant 32767 : i32
    %add3A_2 = vector.broadcast %add3A : i32 to vector<32x8192xi32>
    %add3A_3 = arith.addi %bitcast_convert_type3A, %add3A_2 : vector<32x8192xi32>
    %shift_right_logical3A = arith.constant 16 : i32
    %shift_right_logical3A_4 = vector.broadcast %shift_right_logical3A : i32 to vector<32x8192xi32>
    %shift_right_logical3A_5 = arith.shrui %bitcast_convert_type3A, %shift_right_logical3A_4 : vector<32x8192xi32>
    %and3A = arith.constant 1 : i32
    %and3A_6 = vector.broadcast %and3A : i32 to vector<32x8192xi32>
    %and3A_7 = arith.andi %shift_right_logical3A_5, %and3A_6 : vector<32x8192xi32>
    %add3A_8 = arith.addi %add3A_3, %and3A_7 : vector<32x8192xi32>
    %shift_right_logical3A_9 = arith.constant 16 : i32
    %shift_right_logical3A_10 = vector.broadcast %shift_right_logical3A_9 : i32 to vector<32x8192xi32>
    %shift_right_logical3A_11 = arith.shrui %add3A_8, %shift_right_logical3A_10 : vector<32x8192xi32>
    %slice3A_12 = vector.extract_strided_slice %get3A_1 {offsets = [32, 0], sizes = [32, 8192], strides = [1, 1]} : vector<64x8192xf32> to vector<32x8192xf32>
    %bitcast_convert_type3A_13 = tpu.bitcast %slice3A_12 : vector<32x8192xf32> -> vector<32x8192xi32>
    %add3A_14 = arith.constant 32767 : i32
    %add3A_15 = vector.broadcast %add3A_14 : i32 to vector<32x8192xi32>
    %add3A_16 = arith.addi %bitcast_convert_type3A_13, %add3A_15 : vector<32x8192xi32>
    %shift_right_logical3A_17 = arith.constant 16 : i32
    %shift_right_logical3A_18 = vector.broadcast %shift_right_logical3A_17 : i32 to vector<32x8192xi32>
    %shift_right_logical3A_19 = arith.shrui %bitcast_convert_type3A_13, %shift_right_logical3A_18 : vector<32x8192xi32>
    %and3A_20 = arith.constant 1 : i32
    %and3A_21 = vector.broadcast %and3A_20 : i32 to vector<32x8192xi32>
    %and3A_22 = arith.andi %shift_right_logical3A_19, %and3A_21 : vector<32x8192xi32>
    %add3A_23 = arith.addi %add3A_16, %and3A_22 : vector<32x8192xi32>
    %shift_right_logical3A_24 = arith.constant 16 : i32
    %shift_right_logical3A_25 = vector.broadcast %shift_right_logical3A_24 : i32 to vector<32x8192xi32>
    %shift_right_logical3A_26 = arith.shrui %add3A_23, %shift_right_logical3A_25 : vector<32x8192xi32>
    %shift_left3A = arith.constant 16 : i32
    %shift_left3A_27 = vector.broadcast %shift_left3A : i32 to vector<32x8192xi32>
    %shift_left3A_28 = arith.shli %shift_right_logical3A_26, %shift_left3A_27 : vector<32x8192xi32>
    %or3A = arith.ori %shift_right_logical3A_11, %shift_left3A_28 : vector<32x8192xi32>
    %bitcast_convert_type3A_29 = tpu.bitcast %or3A : vector<32x8192xi32> -> vector<32x8192xi32>
    %slice3A_30 = vector.extract_strided_slice %bitcast_convert_type3A_29 {offsets = [0, 0], sizes = [32, 2048], strides = [1, 1]} : vector<32x8192xi32> to vector<32x2048xi32>
    %transpose3A = tpu.transpose %slice3A_30, [1, 0] : vector<32x2048xi32> -> vector<2048x32xi32>
    %slice3A_31 = vector.extract_strided_slice %bitcast_convert_type3A_29 {offsets = [0, 2048], sizes = [32, 2048], strides = [1, 1]} : vector<32x8192xi32> to vector<32x2048xi32>
    %transpose3A_32 = tpu.transpose %slice3A_31, [1, 0] : vector<32x2048xi32> -> vector<2048x32xi32>
    %slice3A_33 = vector.extract_strided_slice %bitcast_convert_type3A_29 {offsets = [0, 4096], sizes = [32, 2048], strides = [1, 1]} : vector<32x8192xi32> to vector<32x2048xi32>
    %transpose3A_34 = tpu.transpose %slice3A_33, [1, 0] : vector<32x2048xi32> -> vector<2048x32xi32>
    %slice3A_35 = vector.extract_strided_slice %bitcast_convert_type3A_29 {offsets = [0, 6144], sizes = [32, 2048], strides = [1, 1]} : vector<32x8192xi32> to vector<32x2048xi32>
    %transpose3A_36 = tpu.transpose %slice3A_35, [1, 0] : vector<32x2048xi32> -> vector<2048x32xi32>
    %concatenate3A = tpu.concatenate %transpose3A, %transpose3A_32, %transpose3A_34, %transpose3A_36 in 1 : vector<2048x32xi32>, vector<2048x32xi32>, vector<2048x32xi32>, vector<2048x32xi32> -> vector<2048x128xi32>
    %swap3A = arith.constant 0 : index
    %swap3A_37 = arith.constant 0 : index
    %swap3A_38 = vector.load %arg2[%swap3A, %swap3A_37] : memref<2048x128xi32, #tpu.memory_space<vmem>>, vector<2048x128xi32>
    tpu.vector_store %arg2[%swap3A, %swap3A_37], %concatenate3A {strides = array<i32>} : memref<2048x128xi32, #tpu.memory_space<vmem>>, vector<2048x128xi32>,
    return
  }
  func.func @transform_0(%arg0: i32) -> (i32, i32) {
    %c0_i32 = arith.constant 0 : i32
    %c0_i32_0 = arith.constant 0 : i32
    return %c0_i32, %arg0 : i32, i32
  }
  func.func @transform_1(%arg0: i32) -> (i32, i32) {
    %c0_i32 = arith.constant 0 : i32
    %c0_i32_0 = arith.constant 0 : i32
    return %arg0, %c0_i32 : i32, i32
  }
}

</mosaic_0001>

<sc_bundles>
// kernel: kernel.6.cloned.1.call-start
scs
__scs_entry_jumppad:
0x0: {  	(pc) =	sbr.rel $0x88, $3  }
0x1: {  	(tag) =	ssettag $0x0;
	lr =	simm.s32 $0x1  }
0x2: {  	[smem:$0x3F97] =	sst lr;
	_ =	strace $0xD0000000  }
0x3: {  	_ = 	snop  }
0x4: {  	_ = 	snop  }
0x5: {  	_ = 	snop  }
0x6: {  	_ = 	snop  }
0x7: {  	_ = 	snop  }
__scs_overlays_trampoline_lowered:
0x8: {  	[smem:$0x3FA6] =	sst s0  }
0x9: {  	[smem:$0x3FA7] =	sst s1  }
0xa: {  	[smem:$0x3FA8] =	sst s2  }
0xb: {  	[smem:$0x3FA9] =	sst s3  }
0xc: {  	[smem:$0x3FAA] =	sst s4  }
0xd: {  	[smem:$0x3FAB] =	sst s5  }
0xe: {  	[smem:$0x3FAC] =	sst s6  }
0xf: {  	[smem:$0x3FAD] =	sst s7  }
0x10: {  	[smem:$0x3FAE] =	sst s8  }
0x11: {  	[smem:$0x3FAF] =	sst s9;
	s0 =	simm.s32 @!p0 $0x0  }
0x12: {  	s1 =	sld [smem:$0x3F95];
	s0 =	simm.s32 @p0 $0x1  }
0x13: {  	[smem:$0x3FB0] =	sst s0;
	s0 =	simm.s32 @!p1 $0x0  }
0x14: {  	s2 =	sld [smem:$0x3F94];
	s0 =	simm.s32 @p1 $0x1  }
0x15: {  	[smem:$0x3FB1] =	sst s0;
	s0 =	simm.s32 @!p2 $0x0  }
0x16: {  	s3 =	sld [smem:$0x3FDB];
	s0 =	simm.s32 @p2 $0x1  }
0x17: {  	s4 =	simm.s32 $0x1BF5;
	[smem:$0x3FB3] =	sst s0  }
0x18: {  	s0 =	sld [smem:$0x3F96];
	_ =	swait.ge [sflag:s4], $0x0  }
0x19: {  	s7 =	sld [smem:$0x3F97]  }
0x1a: {  	s8 =	sadd.s32 $0xFFFFE003, lr  }
0x1b: {  	s9 =	sadd.s32 $0xFFFFFEF7, lr;
	s5 =	simm.s32 $0xFFFFFFFF;
	p2 =	slt.u32 s8, $0xFFFFF086  }
0x1c: {  	p1 =	slt.u32 s9, $0xF7A;
	s5 =	simm.s32 @!p2 $0x0  }
0x1d: {  	s5 =	simm.s32 @p1 $0x1;
	p0 =	seq.s32 s7, s2  }
0x1e: {  	s7 =	smul.u32 @!p0 $0xF7A, s2;
	p2 =	seq.s32 @!p0 s5, $0x0  }
0x1f: {  	s9 =	smul.u32 $0xF7A, s1;
	s8 =	simm.s32 @!p0 $0x1BF5;
	p2 =	por !p2, p0  }
0x20: {  	[sflag:s8] =	ssyncset.s32 @!p0 $0xFFFFF086;
	s6 =	sadd.s32 @!p0 s3, s7;
	s7 =	simm.s32 @!p0 $0x108  }
0x21: {  	s3 =	sadd.s32 s3, s9;
	s6 =	sadd.s32 @!p0 $0x88, s6;
	s7 =	simm.s32 @p2 $0x1082  }
0x22: {  	[simem:s7], [sflag:s8] =	dma.local @!p0 [hbm:s6], $0xF7A  }
0x23: {  	s9 =	sor.u32 $0xD0000000, s2;
	s6 =	simm.s32 $0x108;
	_ =	swait.ge @!p0 [sflag:s8], $0x0  }
0x24: {  	s3 =	sadd.s32 $0x88, s3;
	s6 =	simm.s32 @!p1 $0x1082;
	[sflag:s4] =	ssyncset.s32 $0xFFFFF086  }
0x25: {  	[simem:s6], [sflag:s4] =	dma.local [hbm:s3], $0xF7A  }
0x26: {  	[smem:$0x3F97] =	sst s1;
	(tag) =	ssettag s2;
	_ =	strace s9  }
0x27: {  	s1 =	sld [smem:$0x3FA7]  }
0x28: {  	s2 =	sld [smem:$0x3FA8]  }
0x29: {  	s4 =	sld [smem:$0x3FAA]  }
0x2a: {  	p0 =	seq.s32 s5, $0x0;
	s5 =	sld [smem:$0x3FAB]  }
0x2b: {  	s6 =	sld [smem:$0x3FAC]  }
0x2c: {  	s7 =	sld [smem:$0x3FAD]  }
0x2d: {  	s3 =	simm.s32 $0x108;
	s8 =	sld [smem:$0x3FAE]  }
0x2e: {  	s3 =	simm.s32 @!p0 $0x1082;
	s9 =	sld [smem:$0x3FAF]  }
0x2f: {  	lr =	sadd.s32 s0, s3;
	s0 =	sld [smem:$0x3FA6]  }
0x30: {  	s3 =	sld [smem:$0x3FA9]  }
0x31: {  	[smem:$0x3FB2] =	sst s10  }
0x32: {  	s10 =	sld [smem:$0x3FB0];
	_ =	sdelay $0x3  }
0x33: {  	p0 =	seq.s32 s10, $0x1;
	s10 =	sld [smem:$0x3FB2];
	_ =	sdelay $0x3  }
0x34: {  	[smem:$0x3FB2] =	sst s10  }
0x35: {  	s10 =	sld [smem:$0x3FB1];
	_ =	sdelay $0x3  }
0x36: {  	p1 =	seq.s32 s10, $0x1;
	s10 =	sld [smem:$0x3FB2];
	_ =	sdelay $0x3  }
0x37: {  	[smem:$0x3FB2] =	sst s10  }
0x38: {  	s10 =	sld [smem:$0x3FB3]  }
0x39: {  	_ = 	snop;
	(pc) =	sbr.ind lr, $3  }
0x3a: {  	_ = 	snop  }
0x3b: {  	_ = 	snop  }
0x3c: {  	p2 =	seq.s32 s10, $0x1;
	s10 =	sld [smem:$0x3FB2]  }
0x3d: {  	_ =	shalt  }
0x3e: {  	_ =	shalt  }
0x3f: {  	_ =	shalt  }
0x40: {  	_ =	shalt  }
0x41: {  	_ =	shalt  }
0x42: {  	_ =	shalt  }
0x43: {  	_ =	shalt  }
0x44: {  	_ =	shalt  }
0x45: {  	_ =	shalt  }
0x46: {  	_ =	shalt  }
0x47: {  	_ =	shalt  }
0x48: {  	_ =	shalt  }
0x49: {  	_ =	shalt  }
0x4a: {  	_ =	shalt  }
0x4b: {  	_ =	shalt  }
0x4c: {  	_ =	shalt  }
0x4d: {  	_ =	shalt  }
0x4e: {  	_ =	shalt  }
0x4f: {  	_ =	shalt  }
0x50: {  	_ =	shalt  }
0x51: {  	_ =	shalt  }
0x52: {  	_ =	shalt  }
0x53: {  	_ =	shalt  }
0x54: {  	_ =	shalt  }
0x55: {  	_ =	shalt  }
0x56: {  	_ =	shalt  }
0x57: {  	_ =	shalt  }
0x58: {  	_ =	shalt  }
0x59: {  	_ =	shalt  }
0x5a: {  	_ =	shalt  }
0x5b: {  	_ =	shalt  }
0x5c: {  	_ =	shalt  }
0x5d: {  	_ =	shalt  }
0x5e: {  	_ =	shalt  }
0x5f: {  	_ =	shalt  }
0x60: {  	_ =	shalt  }
0x61: {  	_ =	shalt  }
0x62: {  	_ =	shalt  }
0x63: {  	_ =	shalt  }
0x64: {  	_ =	shalt  }
0x65: {  	_ =	shalt  }
0x66: {  	_ =	shalt  }
0x67: {  	_ =	shalt  }
0x68: {  	_ =	shalt  }
0x69: {  	_ =	shalt  }
0x6a: {  	_ =	shalt  }
0x6b: {  	_ =	shalt  }
0x6c: {  	_ =	shalt  }
0x6d: {  	_ =	shalt  }
0x6e: {  	_ =	shalt  }
0x6f: {  	_ =	shalt  }
0x70: {  	_ =	shalt  }
0x71: {  	_ =	shalt  }
0x72: {  	_ =	shalt  }
0x73: {  	_ =	shalt  }
0x74: {  	_ =	shalt  }
0x75: {  	_ =	shalt  }
0x76: {  	_ =	shalt  }
0x77: {  	_ =	shalt  }
0x78: {  	_ =	shalt  }
0x79: {  	_ =	shalt  }
0x7a: {  	_ =	shalt  }
0x7b: {  	_ =	shalt  }
0x7c: {  	_ =	shalt  }
0x7d: {  	_ =	shalt  }
0x7e: {  	_ =	shalt  }
0x7f: {  	_ =	shalt  }
0x80: {  	_ =	shalt  }
0x81: {  	_ =	shalt  }
0x82: {  	_ =	shalt  }
0x83: {  	_ =	shalt  }
0x84: {  	_ =	shalt  }
0x85: {  	_ =	shalt  }
0x86: {  	_ =	shalt  }
0x87: {  	_ =	shalt  }
.Lfunc_end0:
.L_simem_size_0:
called_computation_lowered:
.L_overlay_start_0:
0x88: {  	s2 =	sld [smem:$0x3FD9]  }
0x89: {  	s3 =	sld [smem:$0x3FFE];
	_ =	sdelay $0x1  }
0x8a: {  	s1 =	srdreg.scid  }
0x8b: {  	s0 =	sand.u32 $0x1, s1  }
0x8c: {  	s17 =	sshll.u32 s0, $0xA;
	s2 =	sadd.s32 s3, s2  }
0x8d: {  	s2 =	sadd.s32 s2, s17  }
0x8e: {  	[smem:$0x3FBE] =	sst s2  }
0x8f: {  	_ = 	snop  }
0x90: {  	s2 =	sld [smem:$0x3FC9]  }
0x91: {  	s18 =	sld [smem:$0x3FC8];
	(tm) =	ssettm $0x1  }
0x92: {  	s4 =	sld [smem:$0x3FFB];
	_ =	sdelay $0x3  }
0x93: {  	_ =	strace s4  }
0x94: {  	s4 =	sld [smem:$0x3FFC];
	_ =	sdelay $0x3  }
0x95: {  	_ =	strace s4  }
0x96: {  	s4 =	sld [smem:$0x3FFD];
	_ =	sdelay $0x3  }
0x97: {  	_ =	strace s4  }
0x98: {  	_ =	strace $0x8FFFFFFF  }
0x99: {  	s19 =	sld [smem:$0x3FDB];
	_ =	sdelay $0x1  }
0x9a: {  	s5 =	simm.s32 $_scs_section_size  }
0x9b: {  	s6 =	simm.s32 $_size__tile_overlayer_lowered;
	s7 =	simm.s32 $_tile_overlayer_lowered  }
0x9c: {  	s22 =	simm.s32 $0x1BFF;
	s21 =	sshll.u32 s7, $0x1;
	s4 =	sadd.s32 s5, s19  }
0x9d: {  	s8 =	simm.s32 $0x0;
	s20 =	sshll.u32 s6, $0x1;
	s6 =	sadd.s32 s21, s4  }
0x9e: {  	[timem:s8], [sflag:s22] =	dma.local [hbm:s6], s20  }
0x9f: {  	_ =	swait.ge [sflag:s22], s20  }
0xa0: {  	s5 =	ssub.s32 $0x0, s20;
	[sflag:s22] =	ssyncset.done $0x0  }
0xa1: {  	[sflag:s22] =	ssyncadd.s32 s5;
	_ =	sdelay $0x1  }
0xa2: {  	s23 =	simm.s32 $0x1B8B  }
0xa3: {  	_ =	swait.ge [sflag:s23], $0x1  }
0xa4: {  	[sflag:s23] =	ssyncset.done $0x0  }
0xa5: {  	s25 =	simm.s32 $0x1B8E;
	s24 =	sld [smem:$0x3FFE];
	[sflag:s23] =	ssyncadd.s32 $0xFFFFFFFF  }
0xa6: {  	s26 =	simm.s32 $execute0_lowered;
	[smem:$0x3FD2] =	sst s25  }
0xa7: {  	s6 =	sshll.u32 s26, $0x1;
	_ =	strace $0x80000046;
	[dreg:$0x1] =	wrdreg $0xFFFFFFFF  }
0xa8: {  	s28 =	simm.s32 $_size_execute0_lowered;
	s4 =	sadd.s32 s4, s6;
	[dreg:$0x0] =	wrdreg $0x0  }
0xa9: {  	s6 =	sshll.u32 s28, $0x1;
	[dreg:$0x2] =	wrdreg s4  }
0xaa: {  	[dreg:$0x3] =	wrdreg s6  }
0xab: {  	[dreg:$0x4] =	wrdreg $0xC0  }
0xac: {  	_ =	task [dreg:s8], $0x5FFFF  }
0xad: {  	[dreg:$0x1] =	wrdreg $0xFFFFFFFF  }
0xae: {  	[dreg:$0x0] =	wrdreg $0x60  }
0xaf: {  	[dreg:$0x2] =	wrdreg s24  }
0xb0: {  	[dreg:$0x3] =	wrdreg s2  }
0xb1: {  	[dreg:$0x4] =	wrdreg s18  }
0xb2: {  	[dreg:$0x5] =	wrdreg $0x9  }
0xb3: {  	_ =	task.clear_ibuf [dreg:s8], $0x6FFFF;
	_ =	strace $0x90000046  }
0xb4: {  	s29 =	simm.s32 $0x9;
	_ =	strace $0x80000048  }
0xb5: {  	_ =	swait.ge [sflag:s29], $0x1  }
0xb6: {  	[sflag:s29] =	ssyncadd.s32 $0xFFFFFFFF  }
0xb7: {  	_ =	strace $0x90000048  }
0xb8: {  	_ =	sfence  }
0xb9: {  	s30 =	sld [smem:$0x0];
	_ =	sdelay $0x2  }
0xba: {  	s31 =	sshll.u32 s1, $0xD;
	s1 =	sshrl.u32 s1, $0x2  }
0xbb: {  	s3 =	sand.u32 $0x4000, s31;
	s1 =	sadd.s32 s1, s30  }
0xbc: {  	s0 =	sor.u32 s3, s0;
	s1 =	sshll.u32 s1, $0x11  }
0xbd: {  	s0 =	sor.u32 s1, s0  }
0xbe: {  	s0 =	sadd.s32 $0x8F2B, s0  }
0xbf: {  	[sflag:s0] =	ssyncadd.remote.s32 $0x1  }
0xc0: {  	_ =	sfence.sel $0xFFFF  }
0xc1: {  	[dreg:$0x0] =	wrdreg $0xFFFFFFFF;
	(pc) =	sbr.abs _section_cstart, $3  }
0xc2: {  	[dreg:$0x1] =	wrdreg $0xFFFFFFFF  }
0xc3: {  	_ =	task.clear_ibuf [dreg:s8], $0x2FFFF;
	_ =	strace $0x9FFFFFFF  }
0xc4: {  	(tm) =	ssettm $0x7FFFFFFF  }
0xc5: {  	_ =	shalt  }
tec
execute0_lowered:
.L_overlay_start_1:
0x0: {  	(tag) =	ssettag $0x1  }
0x1: {  	s5 =	rddreg [dreg:$0x0]  }
0x2: {  	s6 =	rddreg [dreg:$0x1]  }
0x3: {  	s7 =	rddreg [dreg:$0x2]  }
0x4: {  	s0 =	rddreg [dreg:$0x3];
	s1 =	simm.s32 $0x0  }
0x5: {  	s4 =	srdreg.scid;
	s2 =	stileid.u32;
	s14 =	simm.s32 $0x2  }
0x6: {  	s15 =	simm.s32 $0x200;
	s16 =	simm.s32 $0x2400;
	s17 =	simm.s32 $0x0  }
0x7: {  	[smem:$0x7FF] =	sst s1;
	s3 =	sadd.s32 $0x1800, s5;
	s8 =	sand.u32 $0x1, s4  }
0x8: {  	s4 =	sadd.s32 $0x3D9800, s5;
	s10 =	sshll.u32 s2, $0x1;
	s11 =	sadd.s32 $0x441800, s5  }
0x9: {  	s29 =	sadd.s32 $0x451800, s5;
	s9 =	ssub.s32 $0x2, s8;
	s8 =	sor.u32 s8, s10  }
0xa: {  	_ =	strace $0x80000047;
	s12 =	sshrl.u32 s9, $0x1;
	s30 =	sshll.u32 s8, $0x6  }
0xb: {  	s31 =	sshll.u32 s8, $0xB;
	s12 =	ssub.s32 s9, s12;
	s5 =	sadd.s32 s6, s30  }
0xc: {  	s6 =	sadd.s32 s7, s30;
	s7 =	sadd.s32 s11, s31;
	s13 =	sor.u32 $0x400, s31  }
0xd: {  	s8 =	sadd.s32 s29, s31;
	s9 =	sadd.s32 s11, s13;
	s10 =	sadd.s32 s29, s13  }
0xe: {  	s11 =	smax.u32 s12, $0x1;
	s12 =	simm.s32 $0x3;
	s13 =	simm.s32 $0x1  }
.LBB2_1:
0xf: {  	[tilespmem:s1], [sflag:$0x3] =	stream.linear.gather [hbm4b:s5+s1], $0x200, $0x38;
	[tilespmem:$0x4400] =	vst v63  }
0x10: {  	_ =	swait.ge [sflag:s12], $0x200  }
0x11: {  	[sflag:s12] =	ssyncset.done $0x0  }
0x12: {  	s18 =	simm.s32 $0x2200;
	[sflag:s12] =	ssyncadd.s32 $0xFFFFFE00  }
0x13: {  	[tilespmem:s18], [sflag:$0x3] =	stream.linear.gather [hbm4b:s6+s1], $0x200, $0x38;
	[tilespmem:$0x4400] =	vst v63  }
0x14: {  	_ =	swait.ge [sflag:s12], $0x200  }
0x15: {  	[sflag:s12] =	ssyncset.done $0x0  }
0x16: {  	[sflag:s12] =	ssyncadd.s32 $0xFFFFFE00  }
0x17: {  	v0 =	vld [tilespmem:s1+$0x0]  }
0x18: {  	v1 =	vld [tilespmem:s18+$0x0];
	_ =	sdelay $0x3  }
0x19: {  	v2 =	vshll.u32 v0, $0x5  }
0x1a: {  	v3 =	vshll.u32 v0, $0x7;
	v0 =	vshrl.u32 v0, $0x6;
	v62 =	vshll.u32 v1, $0x5  }
0x1b: {  	v63 =	vshll.u32 v1, $0x7;
	v2 =	vand.u32 $0xFFFC0000, v2;
	v3 =	vand.u32 $0x3FF80, v3  }
0x1c: {  	v1 =	vshrl.u32 v1, $0x6;
	v0 =	vand.u32 $0x60, v0;
	v2 =	vor.u32 v3, v2  }
0x1d: {  	v3 =	vand.u32 $0x3FF80, v63;
	v0 =	vor.u32 v0, v2;
	v2 =	vand.u32 $0xFFFC0000, v62  }
0x1e: {  	v1 =	vand.u32 $0x60, v1;
	v0 =	vshrl.u32 v0, $0x3;
	v2 =	vor.u32 v3, v2  }
0x1f: {  	v0 =	vadd.s32 s3, v0;
	v1 =	vor.u32 v1, v2  }
0x20: {  	(v2sf) =	vpush v0, $0x0;
	v1 =	vshrl.u32 v1, $0x3  }
0x21: {  	v1 =	vadd.s32 s4, v1  }
0x22: {  	(v2sf) =	vpush v1, $0x0;
	_ =	sdelay $0x1  }
0x23: {  	(v2sf) =	vpush v0, $0x1;
	_ =	sdelay $0x1  }
0x24: {  	(v2sf) =	vpush v1, $0x1;
	_ =	sdelay $0x1  }
0x25: {  	(v2sf) =	vpush v0, $0x2;
	_ =	sdelay $0x1  }
0x26: {  	(v2sf) =	vpush v1, $0x2;
	_ =	sdelay $0x1  }
0x27: {  	(v2sf) =	vpush v0, $0x3;
	_ =	sdelay $0x1  }
0x28: {  	(v2sf) =	vpush v1, $0x3  }
0x29: {  	s20 =	simm.s32 $0x200;
	s19 =	spop (v2sf)  }
0x2a: {  	(v2sf) =	vpush v0, $0x4;
	[tilespmem:s20], [sflag:$0x1] =	stream.linear.gather [hbm4b:s19+s1], $0x20, $0x38;
	[tilespmem:$0x4400] =	vst v63  }
0x2b: {  	s21 =	simm.s32 $0x2400;
	s22 =	spop (v2sf)  }
0x2c: {  	(v2sf) =	vpush v1, $0x4;
	[tilespmem:s21], [sflag:$0x2] =	stream.linear.gather [hbm4b:s22+s1], $0x20, $0x38;
	[tilespmem:$0x4400] =	vst v63  }
0x2d: {  	s23 =	simm.s32 $0x220;
	s24 =	spop (v2sf);
	(v2sf) =	vpush v0, $0x5  }
0x2e: {  	[tilespmem:s23], [sflag:$0x1] =	stream.linear.gather [hbm4b:s24+s1], $0x20, $0x38;
	[tilespmem:$0x4400] =	vst v63  }
0x2f: {  	s25 =	simm.s32 $0x2420;
	s26 =	spop (v2sf);
	(v2sf) =	vpush v1, $0x5  }
0x30: {  	[tilespmem:s25], [sflag:$0x2] =	stream.linear.gather [hbm4b:s26+s1], $0x20, $0x38;
	[tilespmem:$0x4400] =	vst v63  }
0x31: {  	s28 =	simm.s32 $0x240;
	s29 =	spop (v2sf);
	(v2sf) =	vpush v0, $0x6  }
0x32: {  	[tilespmem:s28], [sflag:$0x1] =	stream.linear.gather [hbm4b:s29+s1], $0x20, $0x38;
	[tilespmem:$0x4400] =	vst v63  }
0x33: {  	s30 =	simm.s32 $0x2440;
	s31 =	spop (v2sf);
	(v2sf) =	vpush v1, $0x6  }
0x34: {  	[tilespmem:s30], [sflag:$0x2] =	stream.linear.gather [hbm4b:s31+s1], $0x20, $0x38;
	[tilespmem:$0x4400] =	vst v63  }
0x35: {  	s21 =	simm.s32 $0x260;
	s22 =	spop (v2sf);
	(v2sf) =	vpush v0, $0x7  }
0x36: {  	[tilespmem:s21], [sflag:$0x1] =	stream.linear.gather [hbm4b:s22+s1], $0x20, $0x38;
	[tilespmem:$0x4400] =	vst v63  }
0x37: {  	s23 =	simm.s32 $0x2460;
	s24 =	spop (v2sf);
	(v2sf) =	vpush v1, $0x7  }
0x38: {  	[tilespmem:s23], [sflag:$0x2] =	stream.linear.gather [hbm4b:s24+s1], $0x20, $0x38;
	[tilespmem:$0x4400] =	vst v63  }
0x39: {  	s25 =	simm.s32 $0x280;
	s26 =	spop (v2sf);
	(v2sf) =	vpush v0, $0x8  }
0x3a: {  	[tilespmem:s25], [sflag:$0x1] =	stream.linear.gather [hbm4b:s26+s1], $0x20, $0x38;
	[tilespmem:$0x4400] =	vst v63  }
0x3b: {  	s29 =	spop (v2sf);
	(v2sf) =	vpush v1, $0x8  }
0x3c: {  	s28 =	simm.s32 $0x2480;
	s31 =	spop (v2sf)  }
0x3d: {  	(v2sf) =	vpush v0, $0x9;
	[tilespmem:s28], [sflag:$0x2] =	stream.linear.gather [hbm4b:s29+s1], $0x20, $0x38;
	[tilespmem:$0x4400] =	vst v63  }
0x3e: {  	s30 =	simm.s32 $0x2A0;
	s22 =	spop (v2sf)  }
0x3f: {  	(v2sf) =	vpush v1, $0x9;
	[tilespmem:s30], [sflag:$0x1] =	stream.linear.gather [hbm4b:s31+s1], $0x20, $0x38;
	[tilespmem:$0x4400] =	vst v63  }
0x40: {  	s21 =	simm.s32 $0x24A0;
	s24 =	spop (v2sf)  }
0x41: {  	(v2sf) =	vpush v0, $0xA;
	[tilespmem:s21], [sflag:$0x2] =	stream.linear.gather [hbm4b:s22+s1], $0x20, $0x38;
	[tilespmem:$0x4400] =	vst v63  }
0x42: {  	s23 =	simm.s32 $0x2C0;
	s26 =	spop (v2sf)  }
0x43: {  	(v2sf) =	vpush v1, $0xA;
	[tilespmem:s23], [sflag:$0x1] =	stream.linear.gather [hbm4b:s24+s1], $0x20, $0x38;
	[tilespmem:$0x4400] =	vst v63  }
0x44: {  	s25 =	simm.s32 $0x24C0;
	s29 =	spop (v2sf)  }
0x45: {  	(v2sf) =	vpush v0, $0xB;
	[tilespmem:s25], [sflag:$0x2] =	stream.linear.gather [hbm4b:s26+s1], $0x20, $0x38;
	[tilespmem:$0x4400] =	vst v63  }
0x46: {  	s28 =	simm.s32 $0x2E0;
	s31 =	spop (v2sf)  }
0x47: {  	(v2sf) =	vpush v1, $0xB;
	[tilespmem:s28], [sflag:$0x1] =	stream.linear.gather [hbm4b:s29+s1], $0x20, $0x38;
	[tilespmem:$0x4400] =	vst v63  }
0x48: {  	s30 =	simm.s32 $0x24E0;
	s22 =	spop (v2sf)  }
0x49: {  	(v2sf) =	vpush v0, $0xC;
	[tilespmem:s30], [sflag:$0x2] =	stream.linear.gather [hbm4b:s31+s1], $0x20, $0x38;
	[tilespmem:$0x4400] =	vst v63  }
0x4a: {  	s21 =	simm.s32 $0x300;
	s24 =	spop (v2sf)  }
0x4b: {  	[tilespmem:s21], [sflag:$0x1] =	stream.linear.gather [hbm4b:s22+s1], $0x20, $0x38;
	[tilespmem:$0x4400] =	vst v63  }
0x4c: {  	s23 =	simm.s32 $0x2500;
	s26 =	spop (v2sf)  }
0x4d: {  	(v2sf) =	vpush v1, $0xC;
	[tilespmem:s23], [sflag:$0x2] =	stream.linear.gather [hbm4b:s24+s1], $0x20, $0x38;
	[tilespmem:$0x4400] =	vst v63  }
0x4e: {  	s25 =	simm.s32 $0x320;
	s29 =	spop (v2sf)  }
0x4f: {  	(v2sf) =	vpush v0, $0xD;
	[tilespmem:s25], [sflag:$0x1] =	stream.linear.gather [hbm4b:s26+s1], $0x20, $0x38;
	[tilespmem:$0x4400] =	vst v63  }
0x50: {  	s28 =	simm.s32 $0x2520;
	s31 =	spop (v2sf)  }
0x51: {  	(v2sf) =	vpush v1, $0xD;
	[tilespmem:s28], [sflag:$0x2] =	stream.linear.gather [hbm4b:s29+s1], $0x20, $0x38;
	[tilespmem:$0x4400] =	vst v63  }
0x52: {  	s30 =	simm.s32 $0x340;
	s22 =	spop (v2sf)  }
0x53: {  	(v2sf) =	vpush v0, $0xE;
	[tilespmem:s30], [sflag:$0x1] =	stream.linear.gather [hbm4b:s31+s1], $0x20, $0x38;
	[tilespmem:$0x4400] =	vst v63  }
0x54: {  	s21 =	simm.s32 $0x2540;
	s24 =	spop (v2sf)  }
0x55: {  	(v2sf) =	vpush v1, $0xE;
	[tilespmem:s21], [sflag:$0x2] =	stream.linear.gather [hbm4b:s22+s1], $0x20, $0x38;
	[tilespmem:$0x4400] =	vst v63  }
0x56: {  	s23 =	simm.s32 $0x360;
	s26 =	spop (v2sf)  }
0x57: {  	(v2sf) =	vpush v0, $0xF;
	[tilespmem:s23], [sflag:$0x1] =	stream.linear.gather [hbm4b:s24+s1], $0x20, $0x38;
	[tilespmem:$0x4400] =	vst v63  }
0x58: {  	s25 =	simm.s32 $0x2560;
	s29 =	spop (v2sf)  }
0x59: {  	(v2sf) =	vpush v1, $0xF;
	[tilespmem:s25], [sflag:$0x2] =	stream.linear.gather [hbm4b:s26+s1], $0x20, $0x38;
	[tilespmem:$0x4400] =	vst v63  }
0x5a: {  	s28 =	simm.s32 $0x380  }
0x5b: {  	[tilespmem:s28], [sflag:$0x1] =	stream.linear.gather [hbm4b:s29+s1], $0x20, $0x38;
	[tilespmem:$0x4400] =	vst v63  }
0x5c: {  	s30 =	simm.s32 $0x2580;
	s31 =	spop (v2sf)  }
0x5d: {  	[tilespmem:s30], [sflag:$0x2] =	stream.linear.gather [hbm4b:s31+s1], $0x20, $0x38;
	[tilespmem:$0x4400] =	vst v63  }
0x5e: {  	s21 =	simm.s32 $0x3A0;
	s22 =	spop (v2sf)  }
0x5f: {  	[tilespmem:s21], [sflag:$0x1] =	stream.linear.gather [hbm4b:s22+s1], $0x20, $0x38;
	[tilespmem:$0x4400] =	vst v63  }
0x60: {  	s23 =	simm.s32 $0x25A0;
	s24 =	spop (v2sf)  }
0x61: {  	[tilespmem:s23], [sflag:$0x2] =	stream.linear.gather [hbm4b:s24+s1], $0x20, $0x38;
	[tilespmem:$0x4400] =	vst v63  }
0x62: {  	s19 =	simm.s32 $0x800;
	s25 =	simm.s32 $0x3C0;
	s26 =	spop (v2sf)  }
0x63: {  	[tilespmem:s25], [sflag:$0x1] =	stream.linear.gather [hbm4b:s26+s1], $0x20, $0x38;
	[tilespmem:$0x4400] =	vst v63  }
0x64: {  	s20 =	simm.s32 $0x0;
	s28 =	simm.s32 $0x25C0;
	s29 =	spop (v2sf)  }
0x65: {  	[tilespmem:s28], [sflag:$0x2] =	stream.linear.gather [hbm4b:s29+s1], $0x20, $0x38;
	[tilespmem:$0x4400] =	vst v63  }
0x66: {  	s30 =	simm.s32 $0x3E0;
	s31 =	spop (v2sf);
	s21 =	simm.s32 $0x25E0  }
0x67: {  	[tilespmem:s30], [sflag:$0x1] =	stream.linear.gather [hbm4b:s31+s1], $0x20, $0x38;
	[tilespmem:$0x4400] =	vst v63  }
.LBB2_2:
0x68: {  	s20 =	sadd.s32 $0x10, s20;
	s18 =	sadd.s32 $0x10, s18;
	s22 =	spop (v2sf)  }
0x69: {  	[tilespmem:s21], [sflag:$0x2] =	stream.linear.gather [hbm4b:s22+s1], $0x20, $0x38;
	[tilespmem:$0x4400] =	vst v63  }
0x6a: {  	p0 =	sne.s32 s19, $0x7800;
	s21 =	smov.u32 s19;
	s19 =	sadd.s32 $0x800, s19  }
0x6b: {  	v0 =	vld [tilespmem:s20+$0x0];
	_ =	sdelay $0x1  }
0x6c: {  	v1 =	vld [tilespmem:s18+$0x0];
	_ =	sdelay $0x2  }
0x6d: {  	v2 =	vshll.u32 v0, $0x5;
	v3 =	vshll.u32 v0, $0x7;
	v0 =	vshrl.u32 v0, $0x6  }
0x6e: {  	v2 =	vand.u32 $0xFFFC0000, v2;
	v3 =	vand.u32 $0x3FF80, v3  }
0x6f: {  	v0 =	vand.u32 $0x60, v0;
	v2 =	vor.u32 v3, v2;
	v3 =	vshrl.u32 v1, $0x6  }
0x70: {  	v0 =	vor.u32 v0, v2;
	v2 =	vshll.u32 v1, $0x5;
	v1 =	vshll.u32 v1, $0x7  }
0x71: {  	v2 =	vand.u32 $0xFFFC0000, v2;
	v1 =	vand.u32 $0x3FF80, v1;
	v0 =	vshrl.u32 v0, $0x3  }
0x72: {  	v1 =	vor.u32 v1, v2;
	v2 =	vand.u32 $0x60, v3;
	v0 =	vadd.s32 s3, v0  }
0x73: {  	v1 =	vor.u32 v2, v1;
	(v2sf) =	vpush v0, $0x0  }
0x74: {  	v1 =	vshrl.u32 v1, $0x3  }
0x75: {  	v1 =	vadd.s32 s4, v1  }
0x76: {  	(v2sf) =	vpush v1, $0x0;
	_ =	sdelay $0x1  }
0x77: {  	(v2sf) =	vpush v0, $0x1;
	_ =	sdelay $0x1  }
0x78: {  	(v2sf) =	vpush v1, $0x1;
	_ =	sdelay $0x1  }
0x79: {  	(v2sf) =	vpush v0, $0x2;
	_ =	sdelay $0x1  }
0x7a: {  	(v2sf) =	vpush v1, $0x2;
	_ =	sdelay $0x1  }
0x7b: {  	(v2sf) =	vpush v0, $0x3;
	_ =	sdelay $0x1  }
0x7c: {  	s22 =	sshra.s32 s21, $0x2;
	s23 =	spop (v2sf);
	(v2sf) =	vpush v1, $0x3  }
0x7d: {  	s24 =	sadd.s32 $0x200, s22;
	s21 =	sadd.s32 $0x25E0, s22  }
0x7e: {  	[tilespmem:s24], [sflag:$0x1] =	stream.linear.gather [hbm4b:s23+s1], $0x20, $0x38;
	(v2sf) =	vpush v0, $0x4;
	[tilespmem:$0x4400] =	vst v63  }
0x7f: {  	s23 =	sadd.s32 $0x2400, s22;
	s24 =	spop (v2sf)  }
0x80: {  	[tilespmem:s23], [sflag:$0x2] =	stream.linear.gather [hbm4b:s24+s1], $0x20, $0x38;
	(v2sf) =	vpush v1, $0x4;
	[tilespmem:$0x4400] =	vst v63  }
0x81: {  	s23 =	sadd.s32 $0x220, s22;
	s24 =	spop (v2sf)  }
0x82: {  	[tilespmem:s23], [sflag:$0x1] =	stream.linear.gather [hbm4b:s24+s1], $0x20, $0x38;
	(v2sf) =	vpush v0, $0x5;
	[tilespmem:$0x4400] =	vst v63  }
0x83: {  	s23 =	sadd.s32 $0x2420, s22;
	s24 =	spop (v2sf)  }
0x84: {  	[tilespmem:s23], [sflag:$0x2] =	stream.linear.gather [hbm4b:s24+s1], $0x20, $0x38;
	(v2sf) =	vpush v1, $0x5;
	[tilespmem:$0x4400] =	vst v63  }
0x85: {  	s23 =	sadd.s32 $0x240, s22;
	s24 =	spop (v2sf)  }
0x86: {  	[tilespmem:s23], [sflag:$0x1] =	stream.linear.gather [hbm4b:s24+s1], $0x20, $0x38;
	(v2sf) =	vpush v0, $0x6;
	[tilespmem:$0x4400] =	vst v63  }
0x87: {  	s23 =	sadd.s32 $0x2440, s22;
	s24 =	spop (v2sf)  }
0x88: {  	[tilespmem:s23], [sflag:$0x2] =	stream.linear.gather [hbm4b:s24+s1], $0x20, $0x38;
	(v2sf) =	vpush v1, $0x6;
	[tilespmem:$0x4400] =	vst v63  }
0x89: {  	s23 =	sadd.s32 $0x260, s22;
	s24 =	spop (v2sf)  }
0x8a: {  	[tilespmem:s23], [sflag:$0x1] =	stream.linear.gather [hbm4b:s24+s1], $0x20, $0x38;
	(v2sf) =	vpush v0, $0x7;
	[tilespmem:$0x4400] =	vst v63  }
0x8b: {  	s23 =	sadd.s32 $0x2460, s22;
	s24 =	spop (v2sf)  }
0x8c: {  	[tilespmem:s23], [sflag:$0x2] =	stream.linear.gather [hbm4b:s24+s1], $0x20, $0x38;
	(v2sf) =	vpush v1, $0x7;
	[tilespmem:$0x4400] =	vst v63  }
0x8d: {  	s23 =	sadd.s32 $0x280, s22;
	s24 =	spop (v2sf)  }
0x8e: {  	[tilespmem:s23], [sflag:$0x1] =	stream.linear.gather [hbm4b:s24+s1], $0x20, $0x38;
	(v2sf) =	vpush v0, $0x8;
	[tilespmem:$0x4400] =	vst v63  }
0x8f: {  	s23 =	sadd.s32 $0x2480, s22;
	s24 =	spop (v2sf)  }
0x90: {  	[tilespmem:s23], [sflag:$0x2] =	stream.linear.gather [hbm4b:s24+s1], $0x20, $0x38;
	(v2sf) =	vpush v1, $0x8;
	[tilespmem:$0x4400] =	vst v63  }
0x91: {  	s23 =	sadd.s32 $0x2A0, s22;
	s24 =	spop (v2sf)  }
0x92: {  	[tilespmem:s23], [sflag:$0x1] =	stream.linear.gather [hbm4b:s24+s1], $0x20, $0x38;
	(v2sf) =	vpush v0, $0x9;
	[tilespmem:$0x4400] =	vst v63  }
0x93: {  	s23 =	sadd.s32 $0x24A0, s22;
	s24 =	spop (v2sf)  }
0x94: {  	[tilespmem:s23], [sflag:$0x2] =	stream.linear.gather [hbm4b:s24+s1], $0x20, $0x38;
	(v2sf) =	vpush v1, $0x9;
	[tilespmem:$0x4400] =	vst v63  }
0x95: {  	s23 =	sadd.s32 $0x2C0, s22;
	s24 =	spop (v2sf)  }
0x96: {  	[tilespmem:s23], [sflag:$0x1] =	stream.linear.gather [hbm4b:s24+s1], $0x20, $0x38;
	(v2sf) =	vpush v0, $0xA;
	[tilespmem:$0x4400] =	vst v63  }
0x97: {  	s23 =	sadd.s32 $0x24C0, s22;
	s24 =	spop (v2sf)  }
0x98: {  	[tilespmem:s23], [sflag:$0x2] =	stream.linear.gather [hbm4b:s24+s1], $0x20, $0x38;
	(v2sf) =	vpush v1, $0xA;
	[tilespmem:$0x4400] =	vst v63  }
0x99: {  	s23 =	sadd.s32 $0x2E0, s22;
	s24 =	spop (v2sf)  }
0x9a: {  	[tilespmem:s23], [sflag:$0x1] =	stream.linear.gather [hbm4b:s24+s1], $0x20, $0x38;
	(v2sf) =	vpush v0, $0xB;
	[tilespmem:$0x4400] =	vst v63  }
0x9b: {  	s23 =	sadd.s32 $0x24E0, s22;
	s24 =	spop (v2sf)  }
0x9c: {  	[tilespmem:s23], [sflag:$0x2] =	stream.linear.gather [hbm4b:s24+s1], $0x20, $0x38;
	(v2sf) =	vpush v1, $0xB;
	[tilespmem:$0x4400] =	vst v63  }
0x9d: {  	s23 =	sadd.s32 $0x300, s22;
	s24 =	spop (v2sf)  }
0x9e: {  	[tilespmem:s23], [sflag:$0x1] =	stream.linear.gather [hbm4b:s24+s1], $0x20, $0x38;
	(v2sf) =	vpush v0, $0xC;
	[tilespmem:$0x4400] =	vst v63  }
0x9f: {  	s23 =	sadd.s32 $0x2500, s22;
	s24 =	spop (v2sf)  }
0xa0: {  	[tilespmem:s23], [sflag:$0x2] =	stream.linear.gather [hbm4b:s24+s1], $0x20, $0x38;
	(v2sf) =	vpush v1, $0xC;
	[tilespmem:$0x4400] =	vst v63  }
0xa1: {  	s23 =	sadd.s32 $0x320, s22;
	s24 =	spop (v2sf)  }
0xa2: {  	[tilespmem:s23], [sflag:$0x1] =	stream.linear.gather [hbm4b:s24+s1], $0x20, $0x38;
	(v2sf) =	vpush v0, $0xD;
	[tilespmem:$0x4400] =	vst v63  }
0xa3: {  	s23 =	sadd.s32 $0x2520, s22;
	s24 =	spop (v2sf)  }
0xa4: {  	[tilespmem:s23], [sflag:$0x2] =	stream.linear.gather [hbm4b:s24+s1], $0x20, $0x38;
	(v2sf) =	vpush v1, $0xD;
	[tilespmem:$0x4400] =	vst v63  }
0xa5: {  	s23 =	sadd.s32 $0x340, s22;
	s24 =	spop (v2sf)  }
0xa6: {  	[tilespmem:s23], [sflag:$0x1] =	stream.linear.gather [hbm4b:s24+s1], $0x20, $0x38;
	(v2sf) =	vpush v0, $0xE;
	[tilespmem:$0x4400] =	vst v63  }
0xa7: {  	s23 =	sadd.s32 $0x2540, s22;
	s24 =	spop (v2sf)  }
0xa8: {  	[tilespmem:s23], [sflag:$0x2] =	stream.linear.gather [hbm4b:s24+s1], $0x20, $0x38;
	(v2sf) =	vpush v1, $0xE;
	[tilespmem:$0x4400] =	vst v63  }
0xa9: {  	s23 =	sadd.s32 $0x360, s22;
	s24 =	spop (v2sf)  }
0xaa: {  	[tilespmem:s23], [sflag:$0x1] =	stream.linear.gather [hbm4b:s24+s1], $0x20, $0x38;
	(v2sf) =	vpush v0, $0xF;
	[tilespmem:$0x4400] =	vst v63  }
0xab: {  	s23 =	sadd.s32 $0x2560, s22;
	s24 =	spop (v2sf)  }
0xac: {  	[tilespmem:s23], [sflag:$0x2] =	stream.linear.gather [hbm4b:s24+s1], $0x20, $0x38;
	(v2sf) =	vpush v1, $0xF;
	[tilespmem:$0x4400] =	vst v63  }
0xad: {  	s23 =	sadd.s32 $0x380, s22;
	s24 =	spop (v2sf)  }
0xae: {  	[tilespmem:s23], [sflag:$0x1] =	stream.linear.gather [hbm4b:s24+s1], $0x20, $0x38;
	[tilespmem:$0x4400] =	vst v63  }
0xaf: {  	s23 =	sadd.s32 $0x2580, s22;
	s24 =	spop (v2sf)  }
0xb0: {  	[tilespmem:s23], [sflag:$0x2] =	stream.linear.gather [hbm4b:s24+s1], $0x20, $0x38;
	[tilespmem:$0x4400] =	vst v63  }
0xb1: {  	s23 =	sadd.s32 $0x3A0, s22;
	s24 =	spop (v2sf)  }
0xb2: {  	[tilespmem:s23], [sflag:$0x1] =	stream.linear.gather [hbm4b:s24+s1], $0x20, $0x38;
	[tilespmem:$0x4400] =	vst v63  }
0xb3: {  	s23 =	sadd.s32 $0x25A0, s22;
	s24 =	spop (v2sf)  }
0xb4: {  	[tilespmem:s23], [sflag:$0x2] =	stream.linear.gather [hbm4b:s24+s1], $0x20, $0x38;
	[tilespmem:$0x4400] =	vst v63  }
0xb5: {  	s23 =	sadd.s32 $0x3C0, s22;
	s24 =	spop (v2sf)  }
0xb6: {  	[tilespmem:s23], [sflag:$0x1] =	stream.linear.gather [hbm4b:s24+s1], $0x20, $0x38;
	[tilespmem:$0x4400] =	vst v63  }
.Ltmp0:
0xb7: {  	_ = 	snop;
	(pc) =	sbr.rel @p0 .LBB2_2-.Ltmp0, $4  }
0xb8: {  	s23 =	sadd.s32 $0x25C0, s22;
	s24 =	spop (v2sf)  }
0xb9: {  	[tilespmem:s23], [sflag:$0x2] =	stream.linear.gather [hbm4b:s24+s1], $0x20, $0x38;
	[tilespmem:$0x4400] =	vst v63  }
0xba: {  	s22 =	sadd.s32 $0x3E0, s22;
	s23 =	spop (v2sf)  }
0xbb: {  	[tilespmem:s22], [sflag:$0x1] =	stream.linear.gather [hbm4b:s23+s1], $0x20, $0x38;
	[tilespmem:$0x4400] =	vst v63  }
0xbc: {  	s18 =	spop (v2sf)  }
0xbd: {  	[tilespmem:s21], [sflag:$0x2] =	stream.linear.gather [hbm4b:s18+s1], $0x20, $0x38;
	[tilespmem:$0x4400] =	vst v63  }
0xbe: {  	_ =	swait.ge [sflag:s13], $0x2000  }
0xbf: {  	[sflag:s13] =	ssyncset.done $0x0  }
0xc0: {  	[sflag:s13] =	ssyncadd.s32 $0xFFFFE000  }
0xc1: {  	_ =	swait.ge [sflag:s14], $0x2000  }
0xc2: {  	[sflag:s14] =	ssyncset.done $0x0  }
0xc3: {  	s30 =	simm.s32 $0x0;
	[sflag:s14] =	ssyncadd.s32 $0xFFFFE000  }
0xc4: {  	[hbm4b:s7+s30] =	stream.linear.scatter [tilespmem:s15], [sflag:$0x3], $0x2000, $0x38;
	[tilespmem:$0x4400] =	vst v63  }
0xc5: {  	_ =	swait.ge [sflag:s12], $0x2000  }
0xc6: {  	[sflag:s12] =	ssyncset.done $0x0  }
0xc7: {  	[sflag:s12] =	ssyncadd.s32 $0xFFFFE000  }
0xc8: {  	[hbm4b:s8+s30] =	stream.linear.scatter [tilespmem:s16], [sflag:$0x3], $0x2000, $0x38;
	[tilespmem:$0x4400] =	vst v63  }
0xc9: {  	_ =	swait.ge [sflag:s12], $0x2000  }
0xca: {  	[sflag:s12] =	ssyncset.done $0x0  }
0xcb: {  	s18 =	simm.s32 $0x100;
	[sflag:s12] =	ssyncadd.s32 $0xFFFFE000  }
0xcc: {  	s19 =	simm.s32 $0x2300;
	v0 =	vld [tilespmem:s18+$0x0]  }
0xcd: {  	v1 =	vld [tilespmem:s19+$0x0];
	_ =	sdelay $0x3  }
0xce: {  	v2 =	vshll.u32 v0, $0x5  }
0xcf: {  	v3 =	vshll.u32 v0, $0x7;
	v0 =	vshrl.u32 v0, $0x6;
	v62 =	vshll.u32 v1, $0x5  }
0xd0: {  	v63 =	vshll.u32 v1, $0x7;
	v2 =	vand.u32 $0xFFFC0000, v2;
	v3 =	vand.u32 $0x3FF80, v3  }
0xd1: {  	v1 =	vshrl.u32 v1, $0x6;
	v0 =	vand.u32 $0x60, v0;
	v2 =	vor.u32 v3, v2  }
0xd2: {  	v3 =	vand.u32 $0x3FF80, v63;
	v0 =	vor.u32 v0, v2;
	v2 =	vand.u32 $0xFFFC0000, v62  }
0xd3: {  	v1 =	vand.u32 $0x60, v1;
	v0 =	vshrl.u32 v0, $0x3;
	v2 =	vor.u32 v3, v2  }
0xd4: {  	v0 =	vadd.s32 s3, v0;
	v1 =	vor.u32 v1, v2  }
0xd5: {  	(v2sf) =	vpush v0, $0x0;
	v1 =	vshrl.u32 v1, $0x3  }
0xd6: {  	v1 =	vadd.s32 s4, v1  }
0xd7: {  	(v2sf) =	vpush v1, $0x0;
	_ =	sdelay $0x1  }
0xd8: {  	(v2sf) =	vpush v0, $0x1;
	_ =	sdelay $0x1  }
0xd9: {  	(v2sf) =	vpush v1, $0x1;
	_ =	sdelay $0x1  }
0xda: {  	(v2sf) =	vpush v0, $0x2;
	_ =	sdelay $0x1  }
0xdb: {  	(v2sf) =	vpush v1, $0x2;
	_ =	sdelay $0x1  }
0xdc: {  	(v2sf) =	vpush v0, $0x3;
	_ =	sdelay $0x1  }
0xdd: {  	(v2sf) =	vpush v1, $0x3  }
0xde: {  	s31 =	simm.s32 $0x200;
	s20 =	spop (v2sf)  }
0xdf: {  	(v2sf) =	vpush v0, $0x4;
	[tilespmem:s31], [sflag:$0x1] =	stream.linear.gather [hbm4b:s20+s1], $0x20, $0x38;
	[tilespmem:$0x4400] =	vst v63  }
0xe0: {  	s21 =	simm.s32 $0x2400;
	s22 =	spop (v2sf)  }
0xe1: {  	(v2sf) =	vpush v1, $0x4;
	[tilespmem:s21], [sflag:$0x2] =	stream.linear.gather [hbm4b:s22+s1], $0x20, $0x38;
	[tilespmem:$0x4400] =	vst v63  }
0xe2: {  	s23 =	simm.s32 $0x220;
	s24 =	spop (v2sf);
	(v2sf) =	vpush v0, $0x5  }
0xe3: {  	[tilespmem:s23], [sflag:$0x1] =	stream.linear.gather [hbm4b:s24+s1], $0x20, $0x38;
	[tilespmem:$0x4400] =	vst v63  }
0xe4: {  	s25 =	simm.s32 $0x2420;
	s26 =	spop (v2sf);
	(v2sf) =	vpush v1, $0x5  }
0xe5: {  	[tilespmem:s25], [sflag:$0x2] =	stream.linear.gather [hbm4b:s26+s1], $0x20, $0x38;
	[tilespmem:$0x4400] =	vst v63  }
0xe6: {  	s28 =	simm.s32 $0x240;
	s29 =	spop (v2sf);
	(v2sf) =	vpush v0, $0x6  }
0xe7: {  	[tilespmem:s28], [sflag:$0x1] =	stream.linear.gather [hbm4b:s29+s1], $0x20, $0x38;
	[tilespmem:$0x4400] =	vst v63  }
0xe8: {  	s30 =	simm.s32 $0x2440;
	s31 =	spop (v2sf);
	(v2sf) =	vpush v1, $0x6  }
0xe9: {  	[tilespmem:s30], [sflag:$0x2] =	stream.linear.gather [hbm4b:s31+s1], $0x20, $0x38;
	[tilespmem:$0x4400] =	vst v63  }
0xea: {  	s21 =	simm.s32 $0x260;
	s22 =	spop (v2sf);
	(v2sf) =	vpush v0, $0x7  }
0xeb: {  	[tilespmem:s21], [sflag:$0x1] =	stream.linear.gather [hbm4b:s22+s1], $0x20, $0x38;
	[tilespmem:$0x4400] =	vst v63  }
0xec: {  	s23 =	simm.s32 $0x2460;
	s24 =	spop (v2sf);
	(v2sf) =	vpush v1, $0x7  }
0xed: {  	[tilespmem:s23], [sflag:$0x2] =	stream.linear.gather [hbm4b:s24+s1], $0x20, $0x38;
	[tilespmem:$0x4400] =	vst v63  }
0xee: {  	s25 =	simm.s32 $0x280;
	s26 =	spop (v2sf);
	(v2sf) =	vpush v0, $0x8  }
0xef: {  	[tilespmem:s25], [sflag:$0x1] =	stream.linear.gather [hbm4b:s26+s1], $0x20, $0x38;
	[tilespmem:$0x4400] =	vst v63  }
0xf0: {  	s29 =	spop (v2sf);
	(v2sf) =	vpush v1, $0x8  }
0xf1: {  	s28 =	simm.s32 $0x2480;
	s31 =	spop (v2sf)  }
0xf2: {  	(v2sf) =	vpush v0, $0x9;
	[tilespmem:s28], [sflag:$0x2] =	stream.linear.gather [hbm4b:s29+s1], $0x20, $0x38;
	[tilespmem:$0x4400] =	vst v63  }
0xf3: {  	s30 =	simm.s32 $0x2A0;
	s22 =	spop (v2sf)  }
0xf4: {  	(v2sf) =	vpush v1, $0x9;
	[tilespmem:s30], [sflag:$0x1] =	stream.linear.gather [hbm4b:s31+s1], $0x20, $0x38;
	[tilespmem:$0x4400] =	vst v63  }
0xf5: {  	s21 =	simm.s32 $0x24A0;
	s24 =	spop (v2sf)  }
0xf6: {  	(v2sf) =	vpush v0, $0xA;
	[tilespmem:s21], [sflag:$0x2] =	stream.linear.gather [hbm4b:s22+s1], $0x20, $0x38;
	[tilespmem:$0x4400] =	vst v63  }
0xf7: {  	s23 =	simm.s32 $0x2C0;
	s26 =	spop (v2sf)  }
0xf8: {  	(v2sf) =	vpush v1, $0xA;
	[tilespmem:s23], [sflag:$0x1] =	stream.linear.gather [hbm4b:s24+s1], $0x20, $0x38;
	[tilespmem:$0x4400] =	vst v63  }
0xf9: {  	s25 =	simm.s32 $0x24C0;
	s29 =	spop (v2sf)  }
0xfa: {  	(v2sf) =	vpush v0, $0xB;
	[tilespmem:s25], [sflag:$0x2] =	stream.linear.gather [hbm4b:s26+s1], $0x20, $0x38;
	[tilespmem:$0x4400] =	vst v63  }
0xfb: {  	s28 =	simm.s32 $0x2E0;
	s31 =	spop (v2sf)  }
0xfc: {  	(v2sf) =	vpush v1, $0xB;
	[tilespmem:s28], [sflag:$0x1] =	stream.linear.gather [hbm4b:s29+s1], $0x20, $0x38;
	[tilespmem:$0x4400] =	vst v63  }
0xfd: {  	s30 =	simm.s32 $0x24E0;
	s22 =	spop (v2sf)  }
0xfe: {  	(v2sf) =	vpush v0, $0xC;
	[tilespmem:s30], [sflag:$0x2] =	stream.linear.gather [hbm4b:s31+s1], $0x20, $0x38;
	[tilespmem:$0x4400] =	vst v63  }
0xff: {  	s21 =	simm.s32 $0x300;
	s24 =	spop (v2sf)  }
0x100: {  	[tilespmem:s21], [sflag:$0x1] =	stream.linear.gather [hbm4b:s22+s1], $0x20, $0x38;
	[tilespmem:$0x4400] =	vst v63  }
0x101: {  	s23 =	simm.s32 $0x2500;
	s26 =	spop (v2sf)  }
0x102: {  	(v2sf) =	vpush v1, $0xC;
	[tilespmem:s23], [sflag:$0x2] =	stream.linear.gather [hbm4b:s24+s1], $0x20, $0x38;
	[tilespmem:$0x4400] =	vst v63  }
0x103: {  	s25 =	simm.s32 $0x320;
	s29 =	spop (v2sf)  }
0x104: {  	(v2sf) =	vpush v0, $0xD;
	[tilespmem:s25], [sflag:$0x1] =	stream.linear.gather [hbm4b:s26+s1], $0x20, $0x38;
	[tilespmem:$0x4400] =	vst v63  }
0x105: {  	s28 =	simm.s32 $0x2520;
	s31 =	spop (v2sf)  }
0x106: {  	(v2sf) =	vpush v1, $0xD;
	[tilespmem:s28], [sflag:$0x2] =	stream.linear.gather [hbm4b:s29+s1], $0x20, $0x38;
	[tilespmem:$0x4400] =	vst v63  }
0x107: {  	s30 =	simm.s32 $0x340;
	s22 =	spop (v2sf)  }
0x108: {  	(v2sf) =	vpush v0, $0xE;
	[tilespmem:s30], [sflag:$0x1] =	stream.linear.gather [hbm4b:s31+s1], $0x20, $0x38;
	[tilespmem:$0x4400] =	vst v63  }
0x109: {  	s21 =	simm.s32 $0x2540;
	s24 =	spop (v2sf)  }
0x10a: {  	(v2sf) =	vpush v1, $0xE;
	[tilespmem:s21], [sflag:$0x2] =	stream.linear.gather [hbm4b:s22+s1], $0x20, $0x38;
	[tilespmem:$0x4400] =	vst v63  }
0x10b: {  	s23 =	simm.s32 $0x360;
	s26 =	spop (v2sf)  }
0x10c: {  	(v2sf) =	vpush v0, $0xF;
	[tilespmem:s23], [sflag:$0x1] =	stream.linear.gather [hbm4b:s24+s1], $0x20, $0x38;
	[tilespmem:$0x4400] =	vst v63  }
0x10d: {  	s25 =	simm.s32 $0x2560;
	s29 =	spop (v2sf)  }
0x10e: {  	(v2sf) =	vpush v1, $0xF;
	[tilespmem:s25], [sflag:$0x2] =	stream.linear.gather [hbm4b:s26+s1], $0x20, $0x38;
	[tilespmem:$0x4400] =	vst v63  }
0x10f: {  	s28 =	simm.s32 $0x380  }
0x110: {  	[tilespmem:s28], [sflag:$0x1] =	stream.linear.gather [hbm4b:s29+s1], $0x20, $0x38;
	[tilespmem:$0x4400] =	vst v63  }
0x111: {  	s30 =	simm.s32 $0x2580;
	s31 =	spop (v2sf)  }
0x112: {  	[tilespmem:s30], [sflag:$0x2] =	stream.linear.gather [hbm4b:s31+s1], $0x20, $0x38;
	[tilespmem:$0x4400] =	vst v63  }
0x113: {  	s21 =	simm.s32 $0x3A0;
	s22 =	spop (v2sf)  }
0x114: {  	[tilespmem:s21], [sflag:$0x1] =	stream.linear.gather [hbm4b:s22+s1], $0x20, $0x38;
	[tilespmem:$0x4400] =	vst v63  }
0x115: {  	s23 =	simm.s32 $0x25A0;
	s24 =	spop (v2sf)  }
0x116: {  	[tilespmem:s23], [sflag:$0x2] =	stream.linear.gather [hbm4b:s24+s1], $0x20, $0x38;
	[tilespmem:$0x4400] =	vst v63  }
0x117: {  	s25 =	simm.s32 $0x3C0;
	s26 =	spop (v2sf)  }
0x118: {  	[tilespmem:s25], [sflag:$0x1] =	stream.linear.gather [hbm4b:s26+s1], $0x20, $0x38;
	[tilespmem:$0x4400] =	vst v63  }
0x119: {  	s20 =	simm.s32 $0x800;
	s28 =	simm.s32 $0x25C0;
	s29 =	spop (v2sf)  }
0x11a: {  	[tilespmem:s28], [sflag:$0x2] =	stream.linear.gather [hbm4b:s29+s1], $0x20, $0x38;
	[tilespmem:$0x4400] =	vst v63  }
0x11b: {  	s30 =	simm.s32 $0x3E0;
	s31 =	spop (v2sf);
	s21 =	simm.s32 $0x25E0  }
0x11c: {  	[tilespmem:s30], [sflag:$0x1] =	stream.linear.gather [hbm4b:s31+s1], $0x20, $0x38;
	[tilespmem:$0x4400] =	vst v63  }
.LBB2_4:
0x11d: {  	s18 =	sadd.s32 $0x10, s18;
	s19 =	sadd.s32 $0x10, s19;
	s22 =	spop (v2sf)  }
0x11e: {  	[tilespmem:s21], [sflag:$0x2] =	stream.linear.gather [hbm4b:s22+s1], $0x20, $0x38;
	[tilespmem:$0x4400] =	vst v63  }
0x11f: {  	p0 =	sne.s32 s20, $0x7800;
	s21 =	smov.u32 s20;
	s20 =	sadd.s32 $0x800, s20  }
0x120: {  	v0 =	vld [tilespmem:s18+$0x0];
	_ =	sdelay $0x1  }
0x121: {  	v1 =	vld [tilespmem:s19+$0x0];
	_ =	sdelay $0x2  }
0x122: {  	v2 =	vshll.u32 v0, $0x5;
	v3 =	vshll.u32 v0, $0x7;
	v0 =	vshrl.u32 v0, $0x6  }
0x123: {  	v2 =	vand.u32 $0xFFFC0000, v2;
	v3 =	vand.u32 $0x3FF80, v3  }
0x124: {  	v0 =	vand.u32 $0x60, v0;
	v2 =	vor.u32 v3, v2;
	v3 =	vshrl.u32 v1, $0x6  }
0x125: {  	v0 =	vor.u32 v0, v2;
	v2 =	vshll.u32 v1, $0x5;
	v1 =	vshll.u32 v1, $0x7  }
0x126: {  	v2 =	vand.u32 $0xFFFC0000, v2;
	v1 =	vand.u32 $0x3FF80, v1;
	v0 =	vshrl.u32 v0, $0x3  }
0x127: {  	v1 =	vor.u32 v1, v2;
	v2 =	vand.u32 $0x60, v3;
	v0 =	vadd.s32 s3, v0  }
0x128: {  	v1 =	vor.u32 v2, v1;
	(v2sf) =	vpush v0, $0x0  }
0x129: {  	v1 =	vshrl.u32 v1, $0x3  }
0x12a: {  	v1 =	vadd.s32 s4, v1  }
0x12b: {  	(v2sf) =	vpush v1, $0x0;
	_ =	sdelay $0x1  }
0x12c: {  	(v2sf) =	vpush v0, $0x1;
	_ =	sdelay $0x1  }
0x12d: {  	(v2sf) =	vpush v1, $0x1;
	_ =	sdelay $0x1  }
0x12e: {  	(v2sf) =	vpush v0, $0x2;
	_ =	sdelay $0x1  }
0x12f: {  	(v2sf) =	vpush v1, $0x2;
	_ =	sdelay $0x1  }
0x130: {  	(v2sf) =	vpush v0, $0x3;
	_ =	sdelay $0x1  }
0x131: {  	s22 =	sshra.s32 s21, $0x2;
	s23 =	spop (v2sf);
	(v2sf) =	vpush v1, $0x3  }
0x132: {  	s24 =	sadd.s32 $0x200, s22;
	s21 =	sadd.s32 $0x25E0, s22  }
0x133: {  	[tilespmem:s24], [sflag:$0x1] =	stream.linear.gather [hbm4b:s23+s1], $0x20, $0x38;
	(v2sf) =	vpush v0, $0x4;
	[tilespmem:$0x4400] =	vst v63  }
0x134: {  	s23 =	sadd.s32 $0x2400, s22;
	s24 =	spop (v2sf)  }
0x135: {  	[tilespmem:s23], [sflag:$0x2] =	stream.linear.gather [hbm4b:s24+s1], $0x20, $0x38;
	(v2sf) =	vpush v1, $0x4;
	[tilespmem:$0x4400] =	vst v63  }
0x136: {  	s23 =	sadd.s32 $0x220, s22;
	s24 =	spop (v2sf)  }
0x137: {  	[tilespmem:s23], [sflag:$0x1] =	stream.linear.gather [hbm4b:s24+s1], $0x20, $0x38;
	(v2sf) =	vpush v0, $0x5;
	[tilespmem:$0x4400] =	vst v63  }
0x138: {  	s23 =	sadd.s32 $0x2420, s22;
	s24 =	spop (v2sf)  }
0x139: {  	[tilespmem:s23], [sflag:$0x2] =	stream.linear.gather [hbm4b:s24+s1], $0x20, $0x38;
	(v2sf) =	vpush v1, $0x5;
	[tilespmem:$0x4400] =	vst v63  }
0x13a: {  	s23 =	sadd.s32 $0x240, s22;
	s24 =	spop (v2sf)  }
0x13b: {  	[tilespmem:s23], [sflag:$0x1] =	stream.linear.gather [hbm4b:s24+s1], $0x20, $0x38;
	(v2sf) =	vpush v0, $0x6;
	[tilespmem:$0x4400] =	vst v63  }
0x13c: {  	s23 =	sadd.s32 $0x2440, s22;
	s24 =	spop (v2sf)  }
0x13d: {  	[tilespmem:s23], [sflag:$0x2] =	stream.linear.gather [hbm4b:s24+s1], $0x20, $0x38;
	(v2sf) =	vpush v1, $0x6;
	[tilespmem:$0x4400] =	vst v63  }
0x13e: {  	s23 =	sadd.s32 $0x260, s22;
	s24 =	spop (v2sf)  }
0x13f: {  	[tilespmem:s23], [sflag:$0x1] =	stream.linear.gather [hbm4b:s24+s1], $0x20, $0x38;
	(v2sf) =	vpush v0, $0x7;
	[tilespmem:$0x4400] =	vst v63  }
0x140: {  	s23 =	sadd.s32 $0x2460, s22;
	s24 =	spop (v2sf)  }
0x141: {  	[tilespmem:s23], [sflag:$0x2] =	stream.linear.gather [hbm4b:s24+s1], $0x20, $0x38;
	(v2sf) =	vpush v1, $0x7;
	[tilespmem:$0x4400] =	vst v63  }
0x142: {  	s23 =	sadd.s32 $0x280, s22;
	s24 =	spop (v2sf)  }
0x143: {  	[tilespmem:s23], [sflag:$0x1] =	stream.linear.gather [hbm4b:s24+s1], $0x20, $0x38;
	(v2sf) =	vpush v0, $0x8;
	[tilespmem:$0x4400] =	vst v63  }
0x144: {  	s23 =	sadd.s32 $0x2480, s22;
	s24 =	spop (v2sf)  }
0x145: {  	[tilespmem:s23], [sflag:$0x2] =	stream.linear.gather [hbm4b:s24+s1], $0x20, $0x38;
	(v2sf) =	vpush v1, $0x8;
	[tilespmem:$0x4400] =	vst v63  }
0x146: {  	s23 =	sadd.s32 $0x2A0, s22;
	s24 =	spop (v2sf)  }
0x147: {  	[tilespmem:s23], [sflag:$0x1] =	stream.linear.gather [hbm4b:s24+s1], $0x20, $0x38;
	(v2sf) =	vpush v0, $0x9;
	[tilespmem:$0x4400] =	vst v63  }
0x148: {  	s23 =	sadd.s32 $0x24A0, s22;
	s24 =	spop (v2sf)  }
0x149: {  	[tilespmem:s23], [sflag:$0x2] =	stream.linear.gather [hbm4b:s24+s1], $0x20, $0x38;
	(v2sf) =	vpush v1, $0x9;
	[tilespmem:$0x4400] =	vst v63  }
0x14a: {  	s23 =	sadd.s32 $0x2C0, s22;
	s24 =	spop (v2sf)  }
0x14b: {  	[tilespmem:s23], [sflag:$0x1] =	stream.linear.gather [hbm4b:s24+s1], $0x20, $0x38;
	(v2sf) =	vpush v0, $0xA;
	[tilespmem:$0x4400] =	vst v63  }
0x14c: {  	s23 =	sadd.s32 $0x24C0, s22;
	s24 =	spop (v2sf)  }
0x14d: {  	[tilespmem:s23], [sflag:$0x2] =	stream.linear.gather [hbm4b:s24+s1], $0x20, $0x38;
	(v2sf) =	vpush v1, $0xA;
	[tilespmem:$0x4400] =	vst v63  }
0x14e: {  	s23 =	sadd.s32 $0x2E0, s22;
	s24 =	spop (v2sf)  }
0x14f: {  	[tilespmem:s23], [sflag:$0x1] =	stream.linear.gather [hbm4b:s24+s1], $0x20, $0x38;
	(v2sf) =	vpush v0, $0xB;
	[tilespmem:$0x4400] =	vst v63  }
0x150: {  	s23 =	sadd.s32 $0x24E0, s22;
	s24 =	spop (v2sf)  }
0x151: {  	[tilespmem:s23], [sflag:$0x2] =	stream.linear.gather [hbm4b:s24+s1], $0x20, $0x38;
	(v2sf) =	vpush v1, $0xB;
	[tilespmem:$0x4400] =	vst v63  }
0x152: {  	s23 =	sadd.s32 $0x300, s22;
	s24 =	spop (v2sf)  }
0x153: {  	[tilespmem:s23], [sflag:$0x1] =	stream.linear.gather [hbm4b:s24+s1], $0x20, $0x38;
	(v2sf) =	vpush v0, $0xC;
	[tilespmem:$0x4400] =	vst v63  }
0x154: {  	s23 =	sadd.s32 $0x2500, s22;
	s24 =	spop (v2sf)  }
0x155: {  	[tilespmem:s23], [sflag:$0x2] =	stream.linear.gather [hbm4b:s24+s1], $0x20, $0x38;
	(v2sf) =	vpush v1, $0xC;
	[tilespmem:$0x4400] =	vst v63  }
0x156: {  	s23 =	sadd.s32 $0x320, s22;
	s24 =	spop (v2sf)  }
0x157: {  	[tilespmem:s23], [sflag:$0x1] =	stream.linear.gather [hbm4b:s24+s1], $0x20, $0x38;
	(v2sf) =	vpush v0, $0xD;
	[tilespmem:$0x4400] =	vst v63  }
0x158: {  	s23 =	sadd.s32 $0x2520, s22;
	s24 =	spop (v2sf)  }
0x159: {  	[tilespmem:s23], [sflag:$0x2] =	stream.linear.gather [hbm4b:s24+s1], $0x20, $0x38;
	(v2sf) =	vpush v1, $0xD;
	[tilespmem:$0x4400] =	vst v63  }
0x15a: {  	s23 =	sadd.s32 $0x340, s22;
	s24 =	spop (v2sf)  }
0x15b: {  	[tilespmem:s23], [sflag:$0x1] =	stream.linear.gather [hbm4b:s24+s1], $0x20, $0x38;
	(v2sf) =	vpush v0, $0xE;
	[tilespmem:$0x4400] =	vst v63  }
0x15c: {  	s23 =	sadd.s32 $0x2540, s22;
	s24 =	spop (v2sf)  }
0x15d: {  	[tilespmem:s23], [sflag:$0x2] =	stream.linear.gather [hbm4b:s24+s1], $0x20, $0x38;
	(v2sf) =	vpush v1, $0xE;
	[tilespmem:$0x4400] =	vst v63  }
0x15e: {  	s23 =	sadd.s32 $0x360, s22;
	s24 =	spop (v2sf)  }
0x15f: {  	[tilespmem:s23], [sflag:$0x1] =	stream.linear.gather [hbm4b:s24+s1], $0x20, $0x38;
	(v2sf) =	vpush v0, $0xF;
	[tilespmem:$0x4400] =	vst v63  }
0x160: {  	s23 =	sadd.s32 $0x2560, s22;
	s24 =	spop (v2sf)  }
0x161: {  	[tilespmem:s23], [sflag:$0x2] =	stream.linear.gather [hbm4b:s24+s1], $0x20, $0x38;
	(v2sf) =	vpush v1, $0xF;
	[tilespmem:$0x4400] =	vst v63  }
0x162: {  	s23 =	sadd.s32 $0x380, s22;
	s24 =	spop (v2sf)  }
0x163: {  	[tilespmem:s23], [sflag:$0x1] =	stream.linear.gather [hbm4b:s24+s1], $0x20, $0x38;
	[tilespmem:$0x4400] =	vst v63  }
0x164: {  	s23 =	sadd.s32 $0x2580, s22;
	s24 =	spop (v2sf)  }
0x165: {  	[tilespmem:s23], [sflag:$0x2] =	stream.linear.gather [hbm4b:s24+s1], $0x20, $0x38;
	[tilespmem:$0x4400] =	vst v63  }
0x166: {  	s23 =	sadd.s32 $0x3A0, s22;
	s24 =	spop (v2sf)  }
0x167: {  	[tilespmem:s23], [sflag:$0x1] =	stream.linear.gather [hbm4b:s24+s1], $0x20, $0x38;
	[tilespmem:$0x4400] =	vst v63  }
0x168: {  	s23 =	sadd.s32 $0x25A0, s22;
	s24 =	spop (v2sf)  }
0x169: {  	[tilespmem:s23], [sflag:$0x2] =	stream.linear.gather [hbm4b:s24+s1], $0x20, $0x38;
	[tilespmem:$0x4400] =	vst v63  }
0x16a: {  	s23 =	sadd.s32 $0x3C0, s22;
	s24 =	spop (v2sf)  }
0x16b: {  	[tilespmem:s23], [sflag:$0x1] =	stream.linear.gather [hbm4b:s24+s1], $0x20, $0x38;
	[tilespmem:$0x4400] =	vst v63  }
.Ltmp1:
0x16c: {  	_ = 	snop;
	(pc) =	sbr.rel @p0 .LBB2_4-.Ltmp1, $4  }
0x16d: {  	s23 =	sadd.s32 $0x25C0, s22;
	s24 =	spop (v2sf)  }
0x16e: {  	[tilespmem:s23], [sflag:$0x2] =	stream.linear.gather [hbm4b:s24+s1], $0x20, $0x38;
	[tilespmem:$0x4400] =	vst v63  }
0x16f: {  	s22 =	sadd.s32 $0x3E0, s22;
	s23 =	spop (v2sf)  }
0x170: {  	[tilespmem:s22], [sflag:$0x1] =	stream.linear.gather [hbm4b:s23+s1], $0x20, $0x38;
	[tilespmem:$0x4400] =	vst v63  }
0x171: {  	s18 =	spop (v2sf)  }
0x172: {  	[tilespmem:s21], [sflag:$0x2] =	stream.linear.gather [hbm4b:s18+s1], $0x20, $0x38;
	[tilespmem:$0x4400] =	vst v63  }
0x173: {  	_ =	swait.ge [sflag:s13], $0x2000  }
0x174: {  	[sflag:s13] =	ssyncset.done $0x0  }
0x175: {  	[sflag:s13] =	ssyncadd.s32 $0xFFFFE000  }
0x176: {  	_ =	swait.ge [sflag:s14], $0x2000  }
0x177: {  	[sflag:s14] =	ssyncset.done $0x0  }
0x178: {  	[sflag:s14] =	ssyncadd.s32 $0xFFFFE000  }
0x179: {  	[hbm4b:s9+s1] =	stream.linear.scatter [tilespmem:s15], [sflag:$0x3], $0x2000, $0x38;
	[tilespmem:$0x4400] =	vst v63  }
0x17a: {  	s17 =	sadd.s32 $0x1, s17;
	_ =	swait.ge [sflag:s12], $0x2000  }
0x17b: {  	p0 =	sne.s32 s17, s11;
	[sflag:s12] =	ssyncset.done $0x0  }
.Ltmp2:
0x17c: {  	[sflag:s12] =	ssyncadd.s32 $0xFFFFE000;
	(pc) =	sbr.rel @p0 .LBB2_1-.Ltmp2, $4  }
0x17d: {  	[hbm4b:s10+s1] =	stream.linear.scatter [tilespmem:s16], [sflag:$0x3], $0x2000, $0x38;
	[tilespmem:$0x4400] =	vst v63  }
0x17e: {  	_ =	swait.ge [sflag:s12], $0x2000  }
0x17f: {  	[sflag:s12] =	ssyncset.done $0x0  }
0x180: {  	[sflag:s12] =	ssyncadd.s32 $0xFFFFE000  }
0x181: {  	_ =	sfence.sel $0x180000  }
0x182: {  	[bflag:$0x0] =	sbarrier.arrive $0xFFFF  }
0x183: {  	p0 =	sne.s32 s2, $0x0;
	_ =	strace $0x90000047  }
0x184: {  	s0 =	sadd.s32 @!p0 $0x100000, s0;
	[bflag:$0x2] =	sbarrier.arrive $0xFFFF  }
0x185: {  	[sflag:s0] =	ssyncadd.tile.s32 @!p0 $0x1;
	_ =	shalt  }
.Lfunc_end2:
_tile_overlayer_lowered:
.L_overlay_start_2:
0x186: {  	(tag) =	ssettag $0x2  }
0x187: {  	s0 =	rddreg [dreg:$0x0];
	s2 =	stileid.u32  }
0x188: {  	s1 =	rddreg [dreg:$0x1];
	p0 =	sne.s32 s2, $0x0  }
0x189: {  	s3 =	rddreg [dreg:$0x2];
	[bflag:$0x3] =	sbarrier.arrive $0xFFFF;
	s2 =	simm.s32 @!p0 $0x1C03  }
0x18a: {  	[timem:s3], [sflag:s2] =	dma.local @!p0 [hbm:s0], s1  }
0x18b: {  	s0 =	simm.s32 @!p0 $0x3  }
0x18c: {  	_ =	swait.ge @!p0 [sflag:s0], s1  }
0x18d: {  	s1 =	ssub.s32 @!p0 $0x0, s1;
	[sflag:s0] =	ssyncset.done @!p0 $0x0  }
0x18e: {  	[sflag:s0] =	ssyncadd.s32 @!p0 s1  }
0x18f: {  	[bflag:$0x3] =	sbarrier.arrive $0xFFFF  }
0x190: {  	_ =	shalt  }

</sc_bundles>
